<compile_context>
chip_gen: v7x
topology: tpu7x:2x2x1
jax: 0.10.2.dev20260603
libtpu: 0.0.44.dev20260713+nightly
codegen_flags: <defaults>
</compile_context>

<pallas_src>
import functools

import jax
import jax.numpy as jnp
from jax import lax
from jax.experimental import pallas as pl
from jax.experimental.pallas import tpu as pltpu
from jax.experimental.pallas import tpu_sc as plsc

DIM_ = 64
ROWS_ = 728
N_WORDS_ = 80
LANES_ = 16
SPW_ = 0.1 / (DIM_ - 1)
SCALE_ = 0.5 / N_WORDS_


def _body(table, out, idx_v, rows_v, tv_v, sem):
    lanes = lax.iota(jnp.int32, 16)
    for t in range(5):
        g = t * 16 + lanes
        d = jnp.where(g < 32, g >> 2,
                      jnp.where(g < 64, (g - 32) >> 2, (g - 64) >> 1))
        off = jnp.where(g < 32, g & 3,
                        jnp.where(g < 64, 10 + ((g - 32) & 3),
                                  20 + ((g - 64) & 1)))
        idx_v[16 * t:16 * (t + 1)] = d * 100 + off
    gather = pltpu.async_copy(table.at[idx_v], rows_v, sem)

    fzero = jnp.zeros((16,), jnp.float32)
    fone = jnp.ones((16,), jnp.float32)
    gather.wait()

    def dim_block(d, carry):
        f, acc0, acc1, acc2, acc3 = carry
        onehot = jnp.where(lanes == d, fone, fzero)
        fp_sum = fzero
        for j in range(4):
            r = 4 * d + j
            s0 = rows_v[r, 0:16]
            a0 = jnp.abs(s0)
            fp_sum = fp_sum + (jnp.where(s0 <= 0.0, a0 + 0.1, -0.1 * s0)
                               - SPW_ * a0)
            acc0 = acc0 + a0
            acc1 = acc1 + jnp.abs(rows_v[r, 16:32])
            acc2 = acc2 + jnp.abs(rows_v[r, 32:48])
            acc3 = acc3 + jnp.abs(rows_v[r, 48:64])
        fn_sum = fzero
        for j in range(4):
            r = 32 + 4 * d + j
            s0 = rows_v[r, 0:16]
            a0 = jnp.abs(s0)
            fn_sum = fn_sum + (jnp.where(s0 >= 0.0, a0 + 0.1, 0.1 * s0)
                               - SPW_ * a0)
            acc0 = acc0 + a0
            acc1 = acc1 + jnp.abs(rows_v[r, 16:32])
            acc2 = acc2 + jnp.abs(rows_v[r, 32:48])
            acc3 = acc3 + jnp.abs(rows_v[r, 48:64])
        fu_sum = (jnp.abs(rows_v[64 + 2 * d, 0:16])
                  + jnp.abs(rows_v[65 + 2 * d, 0:16]))
        f = f + (fp_sum + fn_sum + 2.0 * fu_sum) * onehot
        return f, acc0, acc1, acc2, acc3

    f, acc0, acc1, acc2, acc3 = lax.fori_loop(
        0, 8, dim_block, (fzero, fzero, fzero, fzero, fzero))

    total_vec = f + SPW_ * ((acc0 + acc1) + (acc2 + acc3))
    total = jnp.float32(0.0)
    for j in range(16):
        total = total + total_vec[j]
    total = total * SCALE_
    tv_v[...] = jnp.full((16,), total, jnp.float32)
    pltpu.sync_copy(tv_v.at[0:1], out)


_sc_call = functools.partial(
    pl.kernel,
    mesh=plsc.VectorSubcoreMesh(core_axis_name="c", subcore_axis_name="s",
                                num_cores=1, num_subcores=1),
    out_type=jax.ShapeDtypeStruct((1,), jnp.float32),
    compiler_params=pltpu.CompilerParams(use_tc_tiling_on_sc=False),
    scratch_types=[
        pltpu.VMEM((N_WORDS_,), jnp.int32),
        pltpu.VMEM((N_WORDS_, DIM_), jnp.float32),
        pltpu.VMEM((LANES_,), jnp.float32),
        pltpu.SemaphoreType.DMA,
    ],
)(_body)


@jax.jit
def kernel(embeddings):
    out = _sc_call(embeddings[:ROWS_])
    return jnp.reshape(out, ())

# --- scband reference (transcript-rebuilt; emitter-appended) ---
"""Pipeline reference for scband-dimensional-consistency-loss-22247930593476 (READ-ONLY COPY).

The authoritative reference and input builder live on the scoring server;
editing this copy changes nothing except your own understanding.
"""

import jax, jax.numpy as jnp
import numpy as np

VOCAB = 100000
EMBED_DIM = 64
CONSISTENCY_WEIGHT = 0.5
SPARSITY_WEIGHT = 0.1


def _clusters():
    pos = {d: [d * 100 + j for j in range(4)] for d in range(8)}
    neg = {d: [d * 100 + 10 + j for j in range(4)] for d in range(8)}
    neu = {d: [d * 100 + 20 + j for j in range(2)] for d in range(8)}
    return pos, neg, neu


def setup_inputs(seed: int = 0) -> dict:
    key = jax.random.key(seed)
    embeddings = jax.random.normal(key, (VOCAB, EMBED_DIM), dtype=jnp.float32)
    return {"embeddings": embeddings}


def reference(embeddings):
    pos, neg, neu = _clusters()
    total = jnp.asarray(0.0, dtype=jnp.float32)
    n = 0
    dims = sorted(set(pos.keys()) | set(neg.keys()) | set(neu.keys()))
    for d in dims:
        if d in pos:
            for wid in pos[d]:
                vec = embeddings[wid]
                t = vec[d]
                sign_loss = jnp.where(t <= 0, jnp.abs(t) + 0.1, -t * 0.1)
                total = total + sign_loss
                other = jnp.concatenate([vec[:d], vec[d + 1:]])
                total = total + SPARSITY_WEIGHT * jnp.mean(jnp.abs(other))
                n += 1
        if d in neg:
            for wid in neg[d]:
                vec = embeddings[wid]
                t = vec[d]
                sign_loss = jnp.where(t >= 0, jnp.abs(t) + 0.1, -jnp.abs(t) * 0.1)
                total = total + sign_loss
                other = jnp.concatenate([vec[:d], vec[d + 1:]])
                total = total + SPARSITY_WEIGHT * jnp.mean(jnp.abs(other))
                n += 1
        if d in neu:
            for wid in neu[d]:
                t = embeddings[wid, d]
                total = total + jnp.abs(t) * 2.0
                n += 1
    if n == 0:
        return jnp.asarray(0.0, dtype=jnp.float32)
    return CONSISTENCY_WEIGHT * (total / n)

if __name__ == "__main__":
    import jax
    _d = setup_inputs()
    print(jax.jit(kernel)(*tuple(_d.values())))

</pallas_src>

<mosaic_0001>
#map = affine_map<(d0, d1) -> (0, 0)>
#map1 = affine_map<(d0, d1) -> (0)>
module attributes {stable_mosaic.version = 14 : i64} {
  func.func @_body(%arg0: i32, %arg1: i32, %arg2: memref<728x64xf32, #tpu.memory_space<hbm>>, %arg3: memref<1xf32, #tpu.memory_space<hbm>>, %arg4: memref<80xi32, #tpu.memory_space<vmem>>, %arg5: memref<80x64xf32, #tpu.memory_space<vmem>>, %arg6: memref<16xf32, #tpu.memory_space<vmem>>, %arg7: memref<!tpu.dma_semaphore, #tpu.memory_space<semaphore_mem>>) attributes {dimension_semantics = [#tpu.dimension_semantics<core_parallel>, #tpu.dimension_semantics<subcore_parallel>], iteration_bounds = array<i64: 1, 1>, scalar_prefetch = 0 : i64, scratch_operands = 4 : i64, tpu.core_type = #tpu.core_type<sc_vector_subcore>, window_params = [{transform_indices = #map}, {transform_indices = #map1}]} {
    %iota3A = tpu.iota {dimensions = array<i32: 0>} : vector<16xi32>
    %add3A = arith.constant 0 : i32
    %add3A_0 = vector.broadcast %add3A : i32 to vector<16xi32>
    %add3A_1 = arith.addi %add3A_0, %iota3A : vector<16xi32>
    %lt3A = arith.constant 32 : i32
    %lt3A_2 = vector.broadcast %lt3A : i32 to vector<16xi32>
    %lt3A_3 = arith.cmpi slt, %add3A_1, %lt3A_2 : vector<16xi32>
    %shift_right_arithmetic3A = arith.constant 2 : i32
    %shift_right_arithmetic3A_4 = vector.broadcast %shift_right_arithmetic3A : i32 to vector<16xi32>
    %shift_right_arithmetic3A_5 = arith.shrsi %add3A_1, %shift_right_arithmetic3A_4 : vector<16xi32>
    %lt3A_6 = arith.constant 64 : i32
    %lt3A_7 = vector.broadcast %lt3A_6 : i32 to vector<16xi32>
    %lt3A_8 = arith.cmpi slt, %add3A_1, %lt3A_7 : vector<16xi32>
    %sub3A = arith.constant 32 : i32
    %sub3A_9 = vector.broadcast %sub3A : i32 to vector<16xi32>
    %sub3A_10 = arith.subi %add3A_1, %sub3A_9 : vector<16xi32>
    %shift_right_arithmetic3A_11 = arith.constant 2 : i32
    %shift_right_arithmetic3A_12 = vector.broadcast %shift_right_arithmetic3A_11 : i32 to vector<16xi32>
    %shift_right_arithmetic3A_13 = arith.shrsi %sub3A_10, %shift_right_arithmetic3A_12 : vector<16xi32>
    %sub3A_14 = arith.constant 64 : i32
    %sub3A_15 = vector.broadcast %sub3A_14 : i32 to vector<16xi32>
    %sub3A_16 = arith.subi %add3A_1, %sub3A_15 : vector<16xi32>
    %shift_right_arithmetic3A_17 = arith.constant 1 : i32
    %shift_right_arithmetic3A_18 = vector.broadcast %shift_right_arithmetic3A_17 : i32 to vector<16xi32>
    %shift_right_arithmetic3A_19 = arith.shrsi %sub3A_16, %shift_right_arithmetic3A_18 : vector<16xi32>
    %select_n3A = arith.select %lt3A_8, %shift_right_arithmetic3A_13, %shift_right_arithmetic3A_19 : vector<16xi1>, vector<16xi32>
    %select_n3A_20 = arith.select %lt3A_3, %shift_right_arithmetic3A_5, %select_n3A : vector<16xi1>, vector<16xi32>
    %lt3A_21 = arith.constant 32 : i32
    %lt3A_22 = vector.broadcast %lt3A_21 : i32 to vector<16xi32>
    %lt3A_23 = arith.cmpi slt, %add3A_1, %lt3A_22 : vector<16xi32>
    %and3A = arith.constant 3 : i32
    %and3A_24 = vector.broadcast %and3A : i32 to vector<16xi32>
    %and3A_25 = arith.andi %add3A_1, %and3A_24 : vector<16xi32>
    %lt3A_26 = arith.constant 64 : i32
    %lt3A_27 = vector.broadcast %lt3A_26 : i32 to vector<16xi32>
    %lt3A_28 = arith.cmpi slt, %add3A_1, %lt3A_27 : vector<16xi32>
    %sub3A_29 = arith.constant 32 : i32
    %sub3A_30 = vector.broadcast %sub3A_29 : i32 to vector<16xi32>
    %sub3A_31 = arith.subi %add3A_1, %sub3A_30 : vector<16xi32>
    %and3A_32 = arith.constant 3 : i32
    %and3A_33 = vector.broadcast %and3A_32 : i32 to vector<16xi32>
    %and3A_34 = arith.andi %sub3A_31, %and3A_33 : vector<16xi32>
    %add3A_35 = arith.constant 10 : i32
    %add3A_36 = vector.broadcast %add3A_35 : i32 to vector<16xi32>
    %add3A_37 = arith.addi %add3A_36, %and3A_34 : vector<16xi32>
    %sub3A_38 = arith.constant 64 : i32
    %sub3A_39 = vector.broadcast %sub3A_38 : i32 to vector<16xi32>
    %sub3A_40 = arith.subi %add3A_1, %sub3A_39 : vector<16xi32>
    %and3A_41 = arith.constant 1 : i32
    %and3A_42 = vector.broadcast %and3A_41 : i32 to vector<16xi32>
    %and3A_43 = arith.andi %sub3A_40, %and3A_42 : vector<16xi32>
    %add3A_44 = arith.constant 20 : i32
    %add3A_45 = vector.broadcast %add3A_44 : i32 to vector<16xi32>
    %add3A_46 = arith.addi %add3A_45, %and3A_43 : vector<16xi32>
    %select_n3A_47 = arith.select %lt3A_28, %add3A_37, %add3A_46 : vector<16xi1>, vector<16xi32>
    %select_n3A_48 = arith.select %lt3A_23, %and3A_25, %select_n3A_47 : vector<16xi1>, vector<16xi32>
    %mul3A = arith.constant 100 : i32
    %mul3A_49 = vector.broadcast %mul3A : i32 to vector<16xi32>
    %mul3A_50 = arith.muli %select_n3A_20, %mul3A_49 : vector<16xi32>
    %add3A_51 = arith.addi %mul3A_50, %select_n3A_48 : vector<16xi32>
    %swap3A = arith.constant 0 : index
    %swap3A_52 = tpu.vector_load %arg4[%swap3A] {strides = array<i32>} : memref<80xi32, #tpu.memory_space<vmem>>, vector<16xi32>,
    %swap3A_53 = vector.shape_cast %swap3A_52 : vector<16xi32> to vector<16xi32>
    %swap3A_54 = vector.shape_cast %add3A_51 : vector<16xi32> to vector<16xi32>
    tpu.vector_store %arg4[%swap3A], %swap3A_54 {strides = array<i32>} : memref<80xi32, #tpu.memory_space<vmem>>, vector<16xi32>,
    %add3A_55 = arith.constant 16 : i32
    %add3A_56 = vector.broadcast %add3A_55 : i32 to vector<16xi32>
    %add3A_57 = arith.addi %add3A_56, %iota3A : vector<16xi32>
    %lt3A_58 = arith.constant 32 : i32
    %lt3A_59 = vector.broadcast %lt3A_58 : i32 to vector<16xi32>
    %lt3A_60 = arith.cmpi slt, %add3A_57, %lt3A_59 : vector<16xi32>
    %shift_right_arithmetic3A_61 = arith.constant 2 : i32
    %shift_right_arithmetic3A_62 = vector.broadcast %shift_right_arithmetic3A_61 : i32 to vector<16xi32>
    %shift_right_arithmetic3A_63 = arith.shrsi %add3A_57, %shift_right_arithmetic3A_62 : vector<16xi32>
    %lt3A_64 = arith.constant 64 : i32
    %lt3A_65 = vector.broadcast %lt3A_64 : i32 to vector<16xi32>
    %lt3A_66 = arith.cmpi slt, %add3A_57, %lt3A_65 : vector<16xi32>
    %sub3A_67 = arith.constant 32 : i32
    %sub3A_68 = vector.broadcast %sub3A_67 : i32 to vector<16xi32>
    %sub3A_69 = arith.subi %add3A_57, %sub3A_68 : vector<16xi32>
    %shift_right_arithmetic3A_70 = arith.constant 2 : i32
    %shift_right_arithmetic3A_71 = vector.broadcast %shift_right_arithmetic3A_70 : i32 to vector<16xi32>
    %shift_right_arithmetic3A_72 = arith.shrsi %sub3A_69, %shift_right_arithmetic3A_71 : vector<16xi32>
    %sub3A_73 = arith.constant 64 : i32
    %sub3A_74 = vector.broadcast %sub3A_73 : i32 to vector<16xi32>
    %sub3A_75 = arith.subi %add3A_57, %sub3A_74 : vector<16xi32>
    %shift_right_arithmetic3A_76 = arith.constant 1 : i32
    %shift_right_arithmetic3A_77 = vector.broadcast %shift_right_arithmetic3A_76 : i32 to vector<16xi32>
    %shift_right_arithmetic3A_78 = arith.shrsi %sub3A_75, %shift_right_arithmetic3A_77 : vector<16xi32>
    %select_n3A_79 = arith.select %lt3A_66, %shift_right_arithmetic3A_72, %shift_right_arithmetic3A_78 : vector<16xi1>, vector<16xi32>
    %select_n3A_80 = arith.select %lt3A_60, %shift_right_arithmetic3A_63, %select_n3A_79 : vector<16xi1>, vector<16xi32>
    %lt3A_81 = arith.constant 32 : i32
    %lt3A_82 = vector.broadcast %lt3A_81 : i32 to vector<16xi32>
    %lt3A_83 = arith.cmpi slt, %add3A_57, %lt3A_82 : vector<16xi32>
    %and3A_84 = arith.constant 3 : i32
    %and3A_85 = vector.broadcast %and3A_84 : i32 to vector<16xi32>
    %and3A_86 = arith.andi %add3A_57, %and3A_85 : vector<16xi32>
    %lt3A_87 = arith.constant 64 : i32
    %lt3A_88 = vector.broadcast %lt3A_87 : i32 to vector<16xi32>
    %lt3A_89 = arith.cmpi slt, %add3A_57, %lt3A_88 : vector<16xi32>
    %sub3A_90 = arith.constant 32 : i32
    %sub3A_91 = vector.broadcast %sub3A_90 : i32 to vector<16xi32>
    %sub3A_92 = arith.subi %add3A_57, %sub3A_91 : vector<16xi32>
    %and3A_93 = arith.constant 3 : i32
    %and3A_94 = vector.broadcast %and3A_93 : i32 to vector<16xi32>
    %and3A_95 = arith.andi %sub3A_92, %and3A_94 : vector<16xi32>
    %add3A_96 = arith.constant 10 : i32
    %add3A_97 = vector.broadcast %add3A_96 : i32 to vector<16xi32>
    %add3A_98 = arith.addi %add3A_97, %and3A_95 : vector<16xi32>
    %sub3A_99 = arith.constant 64 : i32
    %sub3A_100 = vector.broadcast %sub3A_99 : i32 to vector<16xi32>
    %sub3A_101 = arith.subi %add3A_57, %sub3A_100 : vector<16xi32>
    %and3A_102 = arith.constant 1 : i32
    %and3A_103 = vector.broadcast %and3A_102 : i32 to vector<16xi32>
    %and3A_104 = arith.andi %sub3A_101, %and3A_103 : vector<16xi32>
    %add3A_105 = arith.constant 20 : i32
    %add3A_106 = vector.broadcast %add3A_105 : i32 to vector<16xi32>
    %add3A_107 = arith.addi %add3A_106, %and3A_104 : vector<16xi32>
    %select_n3A_108 = arith.select %lt3A_89, %add3A_98, %add3A_107 : vector<16xi1>, vector<16xi32>
    %select_n3A_109 = arith.select %lt3A_83, %and3A_86, %select_n3A_108 : vector<16xi1>, vector<16xi32>
    %mul3A_110 = arith.constant 100 : i32
    %mul3A_111 = vector.broadcast %mul3A_110 : i32 to vector<16xi32>
    %mul3A_112 = arith.muli %select_n3A_80, %mul3A_111 : vector<16xi32>
    %add3A_113 = arith.addi %mul3A_112, %select_n3A_109 : vector<16xi32>
    %swap3A_114 = arith.constant 16 : index
    %swap3A_115 = tpu.vector_load %arg4[%swap3A_114] {strides = array<i32>} : memref<80xi32, #tpu.memory_space<vmem>>, vector<16xi32>,
    %swap3A_116 = vector.shape_cast %swap3A_115 : vector<16xi32> to vector<16xi32>
    %swap3A_117 = vector.shape_cast %add3A_113 : vector<16xi32> to vector<16xi32>
    tpu.vector_store %arg4[%swap3A_114], %swap3A_117 {strides = array<i32>} : memref<80xi32, #tpu.memory_space<vmem>>, vector<16xi32>,
    %add3A_118 = arith.constant 32 : i32
    %add3A_119 = vector.broadcast %add3A_118 : i32 to vector<16xi32>
    %add3A_120 = arith.addi %add3A_119, %iota3A : vector<16xi32>
    %lt3A_121 = arith.constant 32 : i32
    %lt3A_122 = vector.broadcast %lt3A_121 : i32 to vector<16xi32>
    %lt3A_123 = arith.cmpi slt, %add3A_120, %lt3A_122 : vector<16xi32>
    %shift_right_arithmetic3A_124 = arith.constant 2 : i32
    %shift_right_arithmetic3A_125 = vector.broadcast %shift_right_arithmetic3A_124 : i32 to vector<16xi32>
    %shift_right_arithmetic3A_126 = arith.shrsi %add3A_120, %shift_right_arithmetic3A_125 : vector<16xi32>
    %lt3A_127 = arith.constant 64 : i32
    %lt3A_128 = vector.broadcast %lt3A_127 : i32 to vector<16xi32>
    %lt3A_129 = arith.cmpi slt, %add3A_120, %lt3A_128 : vector<16xi32>
    %sub3A_130 = arith.constant 32 : i32
    %sub3A_131 = vector.broadcast %sub3A_130 : i32 to vector<16xi32>
    %sub3A_132 = arith.subi %add3A_120, %sub3A_131 : vector<16xi32>
    %shift_right_arithmetic3A_133 = arith.constant 2 : i32
    %shift_right_arithmetic3A_134 = vector.broadcast %shift_right_arithmetic3A_133 : i32 to vector<16xi32>
    %shift_right_arithmetic3A_135 = arith.shrsi %sub3A_132, %shift_right_arithmetic3A_134 : vector<16xi32>
    %sub3A_136 = arith.constant 64 : i32
    %sub3A_137 = vector.broadcast %sub3A_136 : i32 to vector<16xi32>
    %sub3A_138 = arith.subi %add3A_120, %sub3A_137 : vector<16xi32>
    %shift_right_arithmetic3A_139 = arith.constant 1 : i32
    %shift_right_arithmetic3A_140 = vector.broadcast %shift_right_arithmetic3A_139 : i32 to vector<16xi32>
    %shift_right_arithmetic3A_141 = arith.shrsi %sub3A_138, %shift_right_arithmetic3A_140 : vector<16xi32>
    %select_n3A_142 = arith.select %lt3A_129, %shift_right_arithmetic3A_135, %shift_right_arithmetic3A_141 : vector<16xi1>, vector<16xi32>
    %select_n3A_143 = arith.select %lt3A_123, %shift_right_arithmetic3A_126, %select_n3A_142 : vector<16xi1>, vector<16xi32>
    %lt3A_144 = arith.constant 32 : i32
    %lt3A_145 = vector.broadcast %lt3A_144 : i32 to vector<16xi32>
    %lt3A_146 = arith.cmpi slt, %add3A_120, %lt3A_145 : vector<16xi32>
    %and3A_147 = arith.constant 3 : i32
    %and3A_148 = vector.broadcast %and3A_147 : i32 to vector<16xi32>
    %and3A_149 = arith.andi %add3A_120, %and3A_148 : vector<16xi32>
    %lt3A_150 = arith.constant 64 : i32
    %lt3A_151 = vector.broadcast %lt3A_150 : i32 to vector<16xi32>
    %lt3A_152 = arith.cmpi slt, %add3A_120, %lt3A_151 : vector<16xi32>
    %sub3A_153 = arith.constant 32 : i32
    %sub3A_154 = vector.broadcast %sub3A_153 : i32 to vector<16xi32>
    %sub3A_155 = arith.subi %add3A_120, %sub3A_154 : vector<16xi32>
    %and3A_156 = arith.constant 3 : i32
    %and3A_157 = vector.broadcast %and3A_156 : i32 to vector<16xi32>
    %and3A_158 = arith.andi %sub3A_155, %and3A_157 : vector<16xi32>
    %add3A_159 = arith.constant 10 : i32
    %add3A_160 = vector.broadcast %add3A_159 : i32 to vector<16xi32>
    %add3A_161 = arith.addi %add3A_160, %and3A_158 : vector<16xi32>
    %sub3A_162 = arith.constant 64 : i32
    %sub3A_163 = vector.broadcast %sub3A_162 : i32 to vector<16xi32>
    %sub3A_164 = arith.subi %add3A_120, %sub3A_163 : vector<16xi32>
    %and3A_165 = arith.constant 1 : i32
    %and3A_166 = vector.broadcast %and3A_165 : i32 to vector<16xi32>
    %and3A_167 = arith.andi %sub3A_164, %and3A_166 : vector<16xi32>
    %add3A_168 = arith.constant 20 : i32
    %add3A_169 = vector.broadcast %add3A_168 : i32 to vector<16xi32>
    %add3A_170 = arith.addi %add3A_169, %and3A_167 : vector<16xi32>
    %select_n3A_171 = arith.select %lt3A_152, %add3A_161, %add3A_170 : vector<16xi1>, vector<16xi32>
    %select_n3A_172 = arith.select %lt3A_146, %and3A_149, %select_n3A_171 : vector<16xi1>, vector<16xi32>
    %mul3A_173 = arith.constant 100 : i32
    %mul3A_174 = vector.broadcast %mul3A_173 : i32 to vector<16xi32>
    %mul3A_175 = arith.muli %select_n3A_143, %mul3A_174 : vector<16xi32>
    %add3A_176 = arith.addi %mul3A_175, %select_n3A_172 : vector<16xi32>
    %swap3A_177 = arith.constant 32 : index
    %swap3A_178 = tpu.vector_load %arg4[%swap3A_177] {strides = array<i32>} : memref<80xi32, #tpu.memory_space<vmem>>, vector<16xi32>,
    %swap3A_179 = vector.shape_cast %swap3A_178 : vector<16xi32> to vector<16xi32>
    %swap3A_180 = vector.shape_cast %add3A_176 : vector<16xi32> to vector<16xi32>
    tpu.vector_store %arg4[%swap3A_177], %swap3A_180 {strides = array<i32>} : memref<80xi32, #tpu.memory_space<vmem>>, vector<16xi32>,
    %add3A_181 = arith.constant 48 : i32
    %add3A_182 = vector.broadcast %add3A_181 : i32 to vector<16xi32>
    %add3A_183 = arith.addi %add3A_182, %iota3A : vector<16xi32>
    %lt3A_184 = arith.constant 32 : i32
    %lt3A_185 = vector.broadcast %lt3A_184 : i32 to vector<16xi32>
    %lt3A_186 = arith.cmpi slt, %add3A_183, %lt3A_185 : vector<16xi32>
    %shift_right_arithmetic3A_187 = arith.constant 2 : i32
    %shift_right_arithmetic3A_188 = vector.broadcast %shift_right_arithmetic3A_187 : i32 to vector<16xi32>
    %shift_right_arithmetic3A_189 = arith.shrsi %add3A_183, %shift_right_arithmetic3A_188 : vector<16xi32>
    %lt3A_190 = arith.constant 64 : i32
    %lt3A_191 = vector.broadcast %lt3A_190 : i32 to vector<16xi32>
    %lt3A_192 = arith.cmpi slt, %add3A_183, %lt3A_191 : vector<16xi32>
    %sub3A_193 = arith.constant 32 : i32
    %sub3A_194 = vector.broadcast %sub3A_193 : i32 to vector<16xi32>
    %sub3A_195 = arith.subi %add3A_183, %sub3A_194 : vector<16xi32>
    %shift_right_arithmetic3A_196 = arith.constant 2 : i32
    %shift_right_arithmetic3A_197 = vector.broadcast %shift_right_arithmetic3A_196 : i32 to vector<16xi32>
    %shift_right_arithmetic3A_198 = arith.shrsi %sub3A_195, %shift_right_arithmetic3A_197 : vector<16xi32>
    %sub3A_199 = arith.constant 64 : i32
    %sub3A_200 = vector.broadcast %sub3A_199 : i32 to vector<16xi32>
    %sub3A_201 = arith.subi %add3A_183, %sub3A_200 : vector<16xi32>
    %shift_right_arithmetic3A_202 = arith.constant 1 : i32
    %shift_right_arithmetic3A_203 = vector.broadcast %shift_right_arithmetic3A_202 : i32 to vector<16xi32>
    %shift_right_arithmetic3A_204 = arith.shrsi %sub3A_201, %shift_right_arithmetic3A_203 : vector<16xi32>
    %select_n3A_205 = arith.select %lt3A_192, %shift_right_arithmetic3A_198, %shift_right_arithmetic3A_204 : vector<16xi1>, vector<16xi32>
    %select_n3A_206 = arith.select %lt3A_186, %shift_right_arithmetic3A_189, %select_n3A_205 : vector<16xi1>, vector<16xi32>
    %lt3A_207 = arith.constant 32 : i32
    %lt3A_208 = vector.broadcast %lt3A_207 : i32 to vector<16xi32>
    %lt3A_209 = arith.cmpi slt, %add3A_183, %lt3A_208 : vector<16xi32>
    %and3A_210 = arith.constant 3 : i32
    %and3A_211 = vector.broadcast %and3A_210 : i32 to vector<16xi32>
    %and3A_212 = arith.andi %add3A_183, %and3A_211 : vector<16xi32>
    %lt3A_213 = arith.constant 64 : i32
    %lt3A_214 = vector.broadcast %lt3A_213 : i32 to vector<16xi32>
    %lt3A_215 = arith.cmpi slt, %add3A_183, %lt3A_214 : vector<16xi32>
    %sub3A_216 = arith.constant 32 : i32
    %sub3A_217 = vector.broadcast %sub3A_216 : i32 to vector<16xi32>
    %sub3A_218 = arith.subi %add3A_183, %sub3A_217 : vector<16xi32>
    %and3A_219 = arith.constant 3 : i32
    %and3A_220 = vector.broadcast %and3A_219 : i32 to vector<16xi32>
    %and3A_221 = arith.andi %sub3A_218, %and3A_220 : vector<16xi32>
    %add3A_222 = arith.constant 10 : i32
    %add3A_223 = vector.broadcast %add3A_222 : i32 to vector<16xi32>
    %add3A_224 = arith.addi %add3A_223, %and3A_221 : vector<16xi32>
    %sub3A_225 = arith.constant 64 : i32
    %sub3A_226 = vector.broadcast %sub3A_225 : i32 to vector<16xi32>
    %sub3A_227 = arith.subi %add3A_183, %sub3A_226 : vector<16xi32>
    %and3A_228 = arith.constant 1 : i32
    %and3A_229 = vector.broadcast %and3A_228 : i32 to vector<16xi32>
    %and3A_230 = arith.andi %sub3A_227, %and3A_229 : vector<16xi32>
    %add3A_231 = arith.constant 20 : i32
    %add3A_232 = vector.broadcast %add3A_231 : i32 to vector<16xi32>
    %add3A_233 = arith.addi %add3A_232, %and3A_230 : vector<16xi32>
    %select_n3A_234 = arith.select %lt3A_215, %add3A_224, %add3A_233 : vector<16xi1>, vector<16xi32>
    %select_n3A_235 = arith.select %lt3A_209, %and3A_212, %select_n3A_234 : vector<16xi1>, vector<16xi32>
    %mul3A_236 = arith.constant 100 : i32
    %mul3A_237 = vector.broadcast %mul3A_236 : i32 to vector<16xi32>
    %mul3A_238 = arith.muli %select_n3A_206, %mul3A_237 : vector<16xi32>
    %add3A_239 = arith.addi %mul3A_238, %select_n3A_235 : vector<16xi32>
    %swap3A_240 = arith.constant 48 : index
    %swap3A_241 = tpu.vector_load %arg4[%swap3A_240] {strides = array<i32>} : memref<80xi32, #tpu.memory_space<vmem>>, vector<16xi32>,
    %swap3A_242 = vector.shape_cast %swap3A_241 : vector<16xi32> to vector<16xi32>
    %swap3A_243 = vector.shape_cast %add3A_239 : vector<16xi32> to vector<16xi32>
    tpu.vector_store %arg4[%swap3A_240], %swap3A_243 {strides = array<i32>} : memref<80xi32, #tpu.memory_space<vmem>>, vector<16xi32>,
    %add3A_244 = arith.constant 64 : i32
    %add3A_245 = vector.broadcast %add3A_244 : i32 to vector<16xi32>
    %add3A_246 = arith.addi %add3A_245, %iota3A : vector<16xi32>
    %lt3A_247 = arith.constant 32 : i32
    %lt3A_248 = vector.broadcast %lt3A_247 : i32 to vector<16xi32>
    %lt3A_249 = arith.cmpi slt, %add3A_246, %lt3A_248 : vector<16xi32>
    %shift_right_arithmetic3A_250 = arith.constant 2 : i32
    %shift_right_arithmetic3A_251 = vector.broadcast %shift_right_arithmetic3A_250 : i32 to vector<16xi32>
    %shift_right_arithmetic3A_252 = arith.shrsi %add3A_246, %shift_right_arithmetic3A_251 : vector<16xi32>
    %lt3A_253 = arith.constant 64 : i32
    %lt3A_254 = vector.broadcast %lt3A_253 : i32 to vector<16xi32>
    %lt3A_255 = arith.cmpi slt, %add3A_246, %lt3A_254 : vector<16xi32>
    %sub3A_256 = arith.constant 32 : i32
    %sub3A_257 = vector.broadcast %sub3A_256 : i32 to vector<16xi32>
    %sub3A_258 = arith.subi %add3A_246, %sub3A_257 : vector<16xi32>
    %shift_right_arithmetic3A_259 = arith.constant 2 : i32
    %shift_right_arithmetic3A_260 = vector.broadcast %shift_right_arithmetic3A_259 : i32 to vector<16xi32>
    %shift_right_arithmetic3A_261 = arith.shrsi %sub3A_258, %shift_right_arithmetic3A_260 : vector<16xi32>
    %sub3A_262 = arith.constant 64 : i32
    %sub3A_263 = vector.broadcast %sub3A_262 : i32 to vector<16xi32>
    %sub3A_264 = arith.subi %add3A_246, %sub3A_263 : vector<16xi32>
    %shift_right_arithmetic3A_265 = arith.constant 1 : i32
    %shift_right_arithmetic3A_266 = vector.broadcast %shift_right_arithmetic3A_265 : i32 to vector<16xi32>
    %shift_right_arithmetic3A_267 = arith.shrsi %sub3A_264, %shift_right_arithmetic3A_266 : vector<16xi32>
    %select_n3A_268 = arith.select %lt3A_255, %shift_right_arithmetic3A_261, %shift_right_arithmetic3A_267 : vector<16xi1>, vector<16xi32>
    %select_n3A_269 = arith.select %lt3A_249, %shift_right_arithmetic3A_252, %select_n3A_268 : vector<16xi1>, vector<16xi32>
    %lt3A_270 = arith.constant 32 : i32
    %lt3A_271 = vector.broadcast %lt3A_270 : i32 to vector<16xi32>
    %lt3A_272 = arith.cmpi slt, %add3A_246, %lt3A_271 : vector<16xi32>
    %and3A_273 = arith.constant 3 : i32
    %and3A_274 = vector.broadcast %and3A_273 : i32 to vector<16xi32>
    %and3A_275 = arith.andi %add3A_246, %and3A_274 : vector<16xi32>
    %lt3A_276 = arith.constant 64 : i32
    %lt3A_277 = vector.broadcast %lt3A_276 : i32 to vector<16xi32>
    %lt3A_278 = arith.cmpi slt, %add3A_246, %lt3A_277 : vector<16xi32>
    %sub3A_279 = arith.constant 32 : i32
    %sub3A_280 = vector.broadcast %sub3A_279 : i32 to vector<16xi32>
    %sub3A_281 = arith.subi %add3A_246, %sub3A_280 : vector<16xi32>
    %and3A_282 = arith.constant 3 : i32
    %and3A_283 = vector.broadcast %and3A_282 : i32 to vector<16xi32>
    %and3A_284 = arith.andi %sub3A_281, %and3A_283 : vector<16xi32>
    %add3A_285 = arith.constant 10 : i32
    %add3A_286 = vector.broadcast %add3A_285 : i32 to vector<16xi32>
    %add3A_287 = arith.addi %add3A_286, %and3A_284 : vector<16xi32>
    %sub3A_288 = arith.constant 64 : i32
    %sub3A_289 = vector.broadcast %sub3A_288 : i32 to vector<16xi32>
    %sub3A_290 = arith.subi %add3A_246, %sub3A_289 : vector<16xi32>
    %and3A_291 = arith.constant 1 : i32
    %and3A_292 = vector.broadcast %and3A_291 : i32 to vector<16xi32>
    %and3A_293 = arith.andi %sub3A_290, %and3A_292 : vector<16xi32>
    %add3A_294 = arith.constant 20 : i32
    %add3A_295 = vector.broadcast %add3A_294 : i32 to vector<16xi32>
    %add3A_296 = arith.addi %add3A_295, %and3A_293 : vector<16xi32>
    %select_n3A_297 = arith.select %lt3A_278, %add3A_287, %add3A_296 : vector<16xi1>, vector<16xi32>
    %select_n3A_298 = arith.select %lt3A_272, %and3A_275, %select_n3A_297 : vector<16xi1>, vector<16xi32>
    %mul3A_299 = arith.constant 100 : i32
    %mul3A_300 = vector.broadcast %mul3A_299 : i32 to vector<16xi32>
    %mul3A_301 = arith.muli %select_n3A_269, %mul3A_300 : vector<16xi32>
    %add3A_302 = arith.addi %mul3A_301, %select_n3A_298 : vector<16xi32>
    %swap3A_303 = arith.constant 64 : index
    %swap3A_304 = tpu.vector_load %arg4[%swap3A_303] {strides = array<i32>} : memref<80xi32, #tpu.memory_space<vmem>>, vector<16xi32>,
    %swap3A_305 = vector.shape_cast %swap3A_304 : vector<16xi32> to vector<16xi32>
    %swap3A_306 = vector.shape_cast %add3A_302 : vector<16xi32> to vector<16xi32>
    tpu.vector_store %arg4[%swap3A_303], %swap3A_306 {strides = array<i32>} : memref<80xi32, #tpu.memory_space<vmem>>, vector<16xi32>,
    %dma_start3A = arith.constant 0 : i32
    %dma_start3A_307 = arith.constant 0 : i32
    %dma_start3A_308 = tpu.memref_slice %arg2[%dma_start3A, %dma_start3A_307] : memref<728x64xf32, #tpu.memory_space<hbm>> -> memref<728x64xf32, #tpu.memory_space<hbm>>
    tpu.enqueue_indirect_dma source(%dma_start3A_308 : memref<728x64xf32, #tpu.memory_space<hbm>>) target(%arg5 : memref<80x64xf32, #tpu.memory_space<vmem>>) offsets(%arg4 : memref<80xi32, #tpu.memory_space<vmem>>) semaphore(%arg7 : memref<!tpu.dma_semaphore, #tpu.memory_space<semaphore_mem>>)
    %broadcast_in_dim3A = arith.constant 0.000000e+00 : f32
    %broadcast_in_dim3A_309 = vector.broadcast %broadcast_in_dim3A : f32 to vector<16xf32>
    %broadcast_in_dim3A_310 = arith.constant 1.000000e+00 : f32
    %broadcast_in_dim3A_311 = vector.broadcast %broadcast_in_dim3A_310 : f32 to vector<16xf32>
    %dma_wait3A = arith.constant 0 : i32
    %dma_wait3A_312 = arith.constant 0 : i32
    %dma_wait3A_313 = tpu.memref_slice %arg2[%dma_wait3A, %dma_wait3A_312] : memref<728x64xf32, #tpu.memory_space<hbm>> -> memref<728x64xf32, #tpu.memory_space<hbm>>
    tpu.wait_indirect_dma semaphore(%arg7 : memref<!tpu.dma_semaphore, #tpu.memory_space<semaphore_mem>>) src(%dma_wait3A_313 : memref<728x64xf32, #tpu.memory_space<hbm>>) dst(%arg5 : memref<80x64xf32, #tpu.memory_space<vmem>>)
    %scan3A = arith.constant 0 : i32
    %scan3A_314 = arith.constant 8 : i32
    %scan3A_315 = arith.addi %scan3A, %scan3A_314 : i32
    %scan3A_316 = arith.constant 1 : i32
    %scan3A_317:5 = scf.for %scan3A_380 = %scan3A to %scan3A_315 step %scan3A_316 iter_args(%scan3A_381 = %broadcast_in_dim3A_309, %scan3A_382 = %broadcast_in_dim3A_309, %scan3A_383 = %broadcast_in_dim3A_309, %scan3A_384 = %broadcast_in_dim3A_309, %scan3A_385 = %broadcast_in_dim3A_309) -> (vector<16xf32>, vector<16xf32>, vector<16xf32>, vector<16xf32>, vector<16xf32>)  : i32 {
      %eq3A = vector.broadcast %scan3A_380 : i32 to vector<16xi32>
      %eq3A_386 = arith.cmpi eq, %iota3A, %eq3A : vector<16xi32>
      %select_n3A_387 = arith.select %eq3A_386, %broadcast_in_dim3A_311, %broadcast_in_dim3A_309 : vector<16xi1>, vector<16xf32>
      %mul3A_388 = arith.constant 4 : i32
      %mul3A_389 = arith.muli %mul3A_388, %scan3A_380 : i32
      %add3A_390 = arith.constant 0 : i32
      %add3A_391 = arith.addi %mul3A_389, %add3A_390 : i32
      %get3A = arith.index_cast %add3A_391 : i32 to index
      %get3A_392 = arith.constant 0 : index
      %get3A_393 = tpu.vector_load %arg5[%get3A, %get3A_392] {strides = array<i32>} : memref<80x64xf32, #tpu.memory_space<vmem>>, vector<1x16xf32>,
      %get3A_394 = vector.shape_cast %get3A_393 : vector<1x16xf32> to vector<16xf32>
      %abs3A = math.absf %get3A_394 : vector<16xf32>
      %le3A = arith.constant 0.000000e+00 : f32
      %le3A_395 = vector.broadcast %le3A : f32 to vector<16xf32>
      %le3A_396 = arith.cmpf ole, %get3A_394, %le3A_395 : vector<16xf32>
      %add3A_397 = arith.constant 1.000000e-01 : f32
      %add3A_398 = vector.broadcast %add3A_397 : f32 to vector<16xf32>
      %add3A_399 = arith.addf %abs3A, %add3A_398 : vector<16xf32>
      %mul3A_400 = arith.constant -1.000000e-01 : f32
      %mul3A_401 = vector.broadcast %mul3A_400 : f32 to vector<16xf32>
      %mul3A_402 = arith.mulf %mul3A_401, %get3A_394 : vector<16xf32>
      %select_n3A_403 = arith.select %le3A_396, %add3A_399, %mul3A_402 : vector<16xi1>, vector<16xf32>
      %mul3A_404 = arith.constant 0.00158730161 : f32
      %mul3A_405 = vector.broadcast %mul3A_404 : f32 to vector<16xf32>
      %mul3A_406 = arith.mulf %mul3A_405, %abs3A : vector<16xf32>
      %sub3A_407 = arith.subf %select_n3A_403, %mul3A_406 : vector<16xf32>
      %add3A_408 = arith.addf %broadcast_in_dim3A_309, %sub3A_407 : vector<16xf32>
      %add3A_409 = arith.addf %scan3A_382, %abs3A : vector<16xf32>
      %get3A_410 = arith.index_cast %add3A_391 : i32 to index
      %get3A_411 = arith.constant 16 : index
      %get3A_412 = tpu.vector_load %arg5[%get3A_410, %get3A_411] {strides = array<i32>} : memref<80x64xf32, #tpu.memory_space<vmem>>, vector<1x16xf32>,
      %get3A_413 = vector.shape_cast %get3A_412 : vector<1x16xf32> to vector<16xf32>
      %abs3A_414 = math.absf %get3A_413 : vector<16xf32>
      %add3A_415 = arith.addf %scan3A_383, %abs3A_414 : vector<16xf32>
      %get3A_416 = arith.index_cast %add3A_391 : i32 to index
      %get3A_417 = arith.constant 32 : index
      %get3A_418 = tpu.vector_load %arg5[%get3A_416, %get3A_417] {strides = array<i32>} : memref<80x64xf32, #tpu.memory_space<vmem>>, vector<1x16xf32>,
      %get3A_419 = vector.shape_cast %get3A_418 : vector<1x16xf32> to vector<16xf32>
      %abs3A_420 = math.absf %get3A_419 : vector<16xf32>
      %add3A_421 = arith.addf %scan3A_384, %abs3A_420 : vector<16xf32>
      %get3A_422 = arith.index_cast %add3A_391 : i32 to index
      %get3A_423 = arith.constant 48 : index
      %get3A_424 = tpu.vector_load %arg5[%get3A_422, %get3A_423] {strides = array<i32>} : memref<80x64xf32, #tpu.memory_space<vmem>>, vector<1x16xf32>,
      %get3A_425 = vector.shape_cast %get3A_424 : vector<1x16xf32> to vector<16xf32>
      %abs3A_426 = math.absf %get3A_425 : vector<16xf32>
      %add3A_427 = arith.addf %scan3A_385, %abs3A_426 : vector<16xf32>
      %mul3A_428 = arith.constant 4 : i32
      %mul3A_429 = arith.muli %mul3A_428, %scan3A_380 : i32
      %add3A_430 = arith.constant 1 : i32
      %add3A_431 = arith.addi %mul3A_429, %add3A_430 : i32
      %get3A_432 = arith.index_cast %add3A_431 : i32 to index
      %get3A_433 = arith.constant 0 : index
      %get3A_434 = tpu.vector_load %arg5[%get3A_432, %get3A_433] {strides = array<i32>} : memref<80x64xf32, #tpu.memory_space<vmem>>, vector<1x16xf32>,
      %get3A_435 = vector.shape_cast %get3A_434 : vector<1x16xf32> to vector<16xf32>
      %abs3A_436 = math.absf %get3A_435 : vector<16xf32>
      %le3A_437 = arith.constant 0.000000e+00 : f32
      %le3A_438 = vector.broadcast %le3A_437 : f32 to vector<16xf32>
      %le3A_439 = arith.cmpf ole, %get3A_435, %le3A_438 : vector<16xf32>
      %add3A_440 = arith.constant 1.000000e-01 : f32
      %add3A_441 = vector.broadcast %add3A_440 : f32 to vector<16xf32>
      %add3A_442 = arith.addf %abs3A_436, %add3A_441 : vector<16xf32>
      %mul3A_443 = arith.constant -1.000000e-01 : f32
      %mul3A_444 = vector.broadcast %mul3A_443 : f32 to vector<16xf32>
      %mul3A_445 = arith.mulf %mul3A_444, %get3A_435 : vector<16xf32>
      %select_n3A_446 = arith.select %le3A_439, %add3A_442, %mul3A_445 : vector<16xi1>, vector<16xf32>
      %mul3A_447 = arith.constant 0.00158730161 : f32
      %mul3A_448 = vector.broadcast %mul3A_447 : f32 to vector<16xf32>
      %mul3A_449 = arith.mulf %mul3A_448, %abs3A_436 : vector<16xf32>
      %sub3A_450 = arith.subf %select_n3A_446, %mul3A_449 : vector<16xf32>
      %add3A_451 = arith.addf %add3A_408, %sub3A_450 : vector<16xf32>
      %add3A_452 = arith.addf %add3A_409, %abs3A_436 : vector<16xf32>
      %get3A_453 = arith.index_cast %add3A_431 : i32 to index
      %get3A_454 = arith.constant 16 : index
      %get3A_455 = tpu.vector_load %arg5[%get3A_453, %get3A_454] {strides = array<i32>} : memref<80x64xf32, #tpu.memory_space<vmem>>, vector<1x16xf32>,
      %get3A_456 = vector.shape_cast %get3A_455 : vector<1x16xf32> to vector<16xf32>
      %abs3A_457 = math.absf %get3A_456 : vector<16xf32>
      %add3A_458 = arith.addf %add3A_415, %abs3A_457 : vector<16xf32>
      %get3A_459 = arith.index_cast %add3A_431 : i32 to index
      %get3A_460 = arith.constant 32 : index
      %get3A_461 = tpu.vector_load %arg5[%get3A_459, %get3A_460] {strides = array<i32>} : memref<80x64xf32, #tpu.memory_space<vmem>>, vector<1x16xf32>,
      %get3A_462 = vector.shape_cast %get3A_461 : vector<1x16xf32> to vector<16xf32>
      %abs3A_463 = math.absf %get3A_462 : vector<16xf32>
      %add3A_464 = arith.addf %add3A_421, %abs3A_463 : vector<16xf32>
      %get3A_465 = arith.index_cast %add3A_431 : i32 to index
      %get3A_466 = arith.constant 48 : index
      %get3A_467 = tpu.vector_load %arg5[%get3A_465, %get3A_466] {strides = array<i32>} : memref<80x64xf32, #tpu.memory_space<vmem>>, vector<1x16xf32>,
      %get3A_468 = vector.shape_cast %get3A_467 : vector<1x16xf32> to vector<16xf32>
      %abs3A_469 = math.absf %get3A_468 : vector<16xf32>
      %add3A_470 = arith.addf %add3A_427, %abs3A_469 : vector<16xf32>
      %mul3A_471 = arith.constant 4 : i32
      %mul3A_472 = arith.muli %mul3A_471, %scan3A_380 : i32
      %add3A_473 = arith.constant 2 : i32
      %add3A_474 = arith.addi %mul3A_472, %add3A_473 : i32
      %get3A_475 = arith.index_cast %add3A_474 : i32 to index
      %get3A_476 = arith.constant 0 : index
      %get3A_477 = tpu.vector_load %arg5[%get3A_475, %get3A_476] {strides = array<i32>} : memref<80x64xf32, #tpu.memory_space<vmem>>, vector<1x16xf32>,
      %get3A_478 = vector.shape_cast %get3A_477 : vector<1x16xf32> to vector<16xf32>
      %abs3A_479 = math.absf %get3A_478 : vector<16xf32>
      %le3A_480 = arith.constant 0.000000e+00 : f32
      %le3A_481 = vector.broadcast %le3A_480 : f32 to vector<16xf32>
      %le3A_482 = arith.cmpf ole, %get3A_478, %le3A_481 : vector<16xf32>
      %add3A_483 = arith.constant 1.000000e-01 : f32
      %add3A_484 = vector.broadcast %add3A_483 : f32 to vector<16xf32>
      %add3A_485 = arith.addf %abs3A_479, %add3A_484 : vector<16xf32>
      %mul3A_486 = arith.constant -1.000000e-01 : f32
      %mul3A_487 = vector.broadcast %mul3A_486 : f32 to vector<16xf32>
      %mul3A_488 = arith.mulf %mul3A_487, %get3A_478 : vector<16xf32>
      %select_n3A_489 = arith.select %le3A_482, %add3A_485, %mul3A_488 : vector<16xi1>, vector<16xf32>
      %mul3A_490 = arith.constant 0.00158730161 : f32
      %mul3A_491 = vector.broadcast %mul3A_490 : f32 to vector<16xf32>
      %mul3A_492 = arith.mulf %mul3A_491, %abs3A_479 : vector<16xf32>
      %sub3A_493 = arith.subf %select_n3A_489, %mul3A_492 : vector<16xf32>
      %add3A_494 = arith.addf %add3A_451, %sub3A_493 : vector<16xf32>
      %add3A_495 = arith.addf %add3A_452, %abs3A_479 : vector<16xf32>
      %get3A_496 = arith.index_cast %add3A_474 : i32 to index
      %get3A_497 = arith.constant 16 : index
      %get3A_498 = tpu.vector_load %arg5[%get3A_496, %get3A_497] {strides = array<i32>} : memref<80x64xf32, #tpu.memory_space<vmem>>, vector<1x16xf32>,
      %get3A_499 = vector.shape_cast %get3A_498 : vector<1x16xf32> to vector<16xf32>
      %abs3A_500 = math.absf %get3A_499 : vector<16xf32>
      %add3A_501 = arith.addf %add3A_458, %abs3A_500 : vector<16xf32>
      %get3A_502 = arith.index_cast %add3A_474 : i32 to index
      %get3A_503 = arith.constant 32 : index
      %get3A_504 = tpu.vector_load %arg5[%get3A_502, %get3A_503] {strides = array<i32>} : memref<80x64xf32, #tpu.memory_space<vmem>>, vector<1x16xf32>,
      %get3A_505 = vector.shape_cast %get3A_504 : vector<1x16xf32> to vector<16xf32>
      %abs3A_506 = math.absf %get3A_505 : vector<16xf32>
      %add3A_507 = arith.addf %add3A_464, %abs3A_506 : vector<16xf32>
      %get3A_508 = arith.index_cast %add3A_474 : i32 to index
      %get3A_509 = arith.constant 48 : index
      %get3A_510 = tpu.vector_load %arg5[%get3A_508, %get3A_509] {strides = array<i32>} : memref<80x64xf32, #tpu.memory_space<vmem>>, vector<1x16xf32>,
      %get3A_511 = vector.shape_cast %get3A_510 : vector<1x16xf32> to vector<16xf32>
      %abs3A_512 = math.absf %get3A_511 : vector<16xf32>
      %add3A_513 = arith.addf %add3A_470, %abs3A_512 : vector<16xf32>
      %mul3A_514 = arith.constant 4 : i32
      %mul3A_515 = arith.muli %mul3A_514, %scan3A_380 : i32
      %add3A_516 = arith.constant 3 : i32
      %add3A_517 = arith.addi %mul3A_515, %add3A_516 : i32
      %get3A_518 = arith.index_cast %add3A_517 : i32 to index
      %get3A_519 = arith.constant 0 : index
      %get3A_520 = tpu.vector_load %arg5[%get3A_518, %get3A_519] {strides = array<i32>} : memref<80x64xf32, #tpu.memory_space<vmem>>, vector<1x16xf32>,
      %get3A_521 = vector.shape_cast %get3A_520 : vector<1x16xf32> to vector<16xf32>
      %abs3A_522 = math.absf %get3A_521 : vector<16xf32>
      %le3A_523 = arith.constant 0.000000e+00 : f32
      %le3A_524 = vector.broadcast %le3A_523 : f32 to vector<16xf32>
      %le3A_525 = arith.cmpf ole, %get3A_521, %le3A_524 : vector<16xf32>
      %add3A_526 = arith.constant 1.000000e-01 : f32
      %add3A_527 = vector.broadcast %add3A_526 : f32 to vector<16xf32>
      %add3A_528 = arith.addf %abs3A_522, %add3A_527 : vector<16xf32>
      %mul3A_529 = arith.constant -1.000000e-01 : f32
      %mul3A_530 = vector.broadcast %mul3A_529 : f32 to vector<16xf32>
      %mul3A_531 = arith.mulf %mul3A_530, %get3A_521 : vector<16xf32>
      %select_n3A_532 = arith.select %le3A_525, %add3A_528, %mul3A_531 : vector<16xi1>, vector<16xf32>
      %mul3A_533 = arith.constant 0.00158730161 : f32
      %mul3A_534 = vector.broadcast %mul3A_533 : f32 to vector<16xf32>
      %mul3A_535 = arith.mulf %mul3A_534, %abs3A_522 : vector<16xf32>
      %sub3A_536 = arith.subf %select_n3A_532, %mul3A_535 : vector<16xf32>
      %add3A_537 = arith.addf %add3A_494, %sub3A_536 : vector<16xf32>
      %add3A_538 = arith.addf %add3A_495, %abs3A_522 : vector<16xf32>
      %get3A_539 = arith.index_cast %add3A_517 : i32 to index
      %get3A_540 = arith.constant 16 : index
      %get3A_541 = tpu.vector_load %arg5[%get3A_539, %get3A_540] {strides = array<i32>} : memref<80x64xf32, #tpu.memory_space<vmem>>, vector<1x16xf32>,
      %get3A_542 = vector.shape_cast %get3A_541 : vector<1x16xf32> to vector<16xf32>
      %abs3A_543 = math.absf %get3A_542 : vector<16xf32>
      %add3A_544 = arith.addf %add3A_501, %abs3A_543 : vector<16xf32>
      %get3A_545 = arith.index_cast %add3A_517 : i32 to index
      %get3A_546 = arith.constant 32 : index
      %get3A_547 = tpu.vector_load %arg5[%get3A_545, %get3A_546] {strides = array<i32>} : memref<80x64xf32, #tpu.memory_space<vmem>>, vector<1x16xf32>,
      %get3A_548 = vector.shape_cast %get3A_547 : vector<1x16xf32> to vector<16xf32>
      %abs3A_549 = math.absf %get3A_548 : vector<16xf32>
      %add3A_550 = arith.addf %add3A_507, %abs3A_549 : vector<16xf32>
      %get3A_551 = arith.index_cast %add3A_517 : i32 to index
      %get3A_552 = arith.constant 48 : index
      %get3A_553 = tpu.vector_load %arg5[%get3A_551, %get3A_552] {strides = array<i32>} : memref<80x64xf32, #tpu.memory_space<vmem>>, vector<1x16xf32>,
      %get3A_554 = vector.shape_cast %get3A_553 : vector<1x16xf32> to vector<16xf32>
      %abs3A_555 = math.absf %get3A_554 : vector<16xf32>
      %add3A_556 = arith.addf %add3A_513, %abs3A_555 : vector<16xf32>
      %mul3A_557 = arith.constant 4 : i32
      %mul3A_558 = arith.muli %mul3A_557, %scan3A_380 : i32
      %add3A_559 = arith.constant 32 : i32
      %add3A_560 = arith.addi %add3A_559, %mul3A_558 : i32
      %add3A_561 = arith.constant 0 : i32
      %add3A_562 = arith.addi %add3A_560, %add3A_561 : i32
      %get3A_563 = arith.index_cast %add3A_562 : i32 to index
      %get3A_564 = arith.constant 0 : index
      %get3A_565 = tpu.vector_load %arg5[%get3A_563, %get3A_564] {strides = array<i32>} : memref<80x64xf32, #tpu.memory_space<vmem>>, vector<1x16xf32>,
      %get3A_566 = vector.shape_cast %get3A_565 : vector<1x16xf32> to vector<16xf32>
      %abs3A_567 = math.absf %get3A_566 : vector<16xf32>
      %ge3A = arith.constant 0.000000e+00 : f32
      %ge3A_568 = vector.broadcast %ge3A : f32 to vector<16xf32>
      %ge3A_569 = arith.cmpf oge, %get3A_566, %ge3A_568 : vector<16xf32>
      %add3A_570 = arith.constant 1.000000e-01 : f32
      %add3A_571 = vector.broadcast %add3A_570 : f32 to vector<16xf32>
      %add3A_572 = arith.addf %abs3A_567, %add3A_571 : vector<16xf32>
      %mul3A_573 = arith.constant 1.000000e-01 : f32
      %mul3A_574 = vector.broadcast %mul3A_573 : f32 to vector<16xf32>
      %mul3A_575 = arith.mulf %mul3A_574, %get3A_566 : vector<16xf32>
      %select_n3A_576 = arith.select %ge3A_569, %add3A_572, %mul3A_575 : vector<16xi1>, vector<16xf32>
      %mul3A_577 = arith.constant 0.00158730161 : f32
      %mul3A_578 = vector.broadcast %mul3A_577 : f32 to vector<16xf32>
      %mul3A_579 = arith.mulf %mul3A_578, %abs3A_567 : vector<16xf32>
      %sub3A_580 = arith.subf %select_n3A_576, %mul3A_579 : vector<16xf32>
      %add3A_581 = arith.addf %broadcast_in_dim3A_309, %sub3A_580 : vector<16xf32>
      %add3A_582 = arith.addf %add3A_538, %abs3A_567 : vector<16xf32>
      %get3A_583 = arith.index_cast %add3A_562 : i32 to index
      %get3A_584 = arith.constant 16 : index
      %get3A_585 = tpu.vector_load %arg5[%get3A_583, %get3A_584] {strides = array<i32>} : memref<80x64xf32, #tpu.memory_space<vmem>>, vector<1x16xf32>,
      %get3A_586 = vector.shape_cast %get3A_585 : vector<1x16xf32> to vector<16xf32>
      %abs3A_587 = math.absf %get3A_586 : vector<16xf32>
      %add3A_588 = arith.addf %add3A_544, %abs3A_587 : vector<16xf32>
      %get3A_589 = arith.index_cast %add3A_562 : i32 to index
      %get3A_590 = arith.constant 32 : index
      %get3A_591 = tpu.vector_load %arg5[%get3A_589, %get3A_590] {strides = array<i32>} : memref<80x64xf32, #tpu.memory_space<vmem>>, vector<1x16xf32>,
      %get3A_592 = vector.shape_cast %get3A_591 : vector<1x16xf32> to vector<16xf32>
      %abs3A_593 = math.absf %get3A_592 : vector<16xf32>
      %add3A_594 = arith.addf %add3A_550, %abs3A_593 : vector<16xf32>
      %get3A_595 = arith.index_cast %add3A_562 : i32 to index
      %get3A_596 = arith.constant 48 : index
      %get3A_597 = tpu.vector_load %arg5[%get3A_595, %get3A_596] {strides = array<i32>} : memref<80x64xf32, #tpu.memory_space<vmem>>, vector<1x16xf32>,
      %get3A_598 = vector.shape_cast %get3A_597 : vector<1x16xf32> to vector<16xf32>
      %abs3A_599 = math.absf %get3A_598 : vector<16xf32>
      %add3A_600 = arith.addf %add3A_556, %abs3A_599 : vector<16xf32>
      %mul3A_601 = arith.constant 4 : i32
      %mul3A_602 = arith.muli %mul3A_601, %scan3A_380 : i32
      %add3A_603 = arith.constant 32 : i32
      %add3A_604 = arith.addi %add3A_603, %mul3A_602 : i32
      %add3A_605 = arith.constant 1 : i32
      %add3A_606 = arith.addi %add3A_604, %add3A_605 : i32
      %get3A_607 = arith.index_cast %add3A_606 : i32 to index
      %get3A_608 = arith.constant 0 : index
      %get3A_609 = tpu.vector_load %arg5[%get3A_607, %get3A_608] {strides = array<i32>} : memref<80x64xf32, #tpu.memory_space<vmem>>, vector<1x16xf32>,
      %get3A_610 = vector.shape_cast %get3A_609 : vector<1x16xf32> to vector<16xf32>
      %abs3A_611 = math.absf %get3A_610 : vector<16xf32>
      %ge3A_612 = arith.constant 0.000000e+00 : f32
      %ge3A_613 = vector.broadcast %ge3A_612 : f32 to vector<16xf32>
      %ge3A_614 = arith.cmpf oge, %get3A_610, %ge3A_613 : vector<16xf32>
      %add3A_615 = arith.constant 1.000000e-01 : f32
      %add3A_616 = vector.broadcast %add3A_615 : f32 to vector<16xf32>
      %add3A_617 = arith.addf %abs3A_611, %add3A_616 : vector<16xf32>
      %mul3A_618 = arith.constant 1.000000e-01 : f32
      %mul3A_619 = vector.broadcast %mul3A_618 : f32 to vector<16xf32>
      %mul3A_620 = arith.mulf %mul3A_619, %get3A_610 : vector<16xf32>
      %select_n3A_621 = arith.select %ge3A_614, %add3A_617, %mul3A_620 : vector<16xi1>, vector<16xf32>
      %mul3A_622 = arith.constant 0.00158730161 : f32
      %mul3A_623 = vector.broadcast %mul3A_622 : f32 to vector<16xf32>
      %mul3A_624 = arith.mulf %mul3A_623, %abs3A_611 : vector<16xf32>
      %sub3A_625 = arith.subf %select_n3A_621, %mul3A_624 : vector<16xf32>
      %add3A_626 = arith.addf %add3A_581, %sub3A_625 : vector<16xf32>
      %add3A_627 = arith.addf %add3A_582, %abs3A_611 : vector<16xf32>
      %get3A_628 = arith.index_cast %add3A_606 : i32 to index
      %get3A_629 = arith.constant 16 : index
      %get3A_630 = tpu.vector_load %arg5[%get3A_628, %get3A_629] {strides = array<i32>} : memref<80x64xf32, #tpu.memory_space<vmem>>, vector<1x16xf32>,
      %get3A_631 = vector.shape_cast %get3A_630 : vector<1x16xf32> to vector<16xf32>
      %abs3A_632 = math.absf %get3A_631 : vector<16xf32>
      %add3A_633 = arith.addf %add3A_588, %abs3A_632 : vector<16xf32>
      %get3A_634 = arith.index_cast %add3A_606 : i32 to index
      %get3A_635 = arith.constant 32 : index
      %get3A_636 = tpu.vector_load %arg5[%get3A_634, %get3A_635] {strides = array<i32>} : memref<80x64xf32, #tpu.memory_space<vmem>>, vector<1x16xf32>,
      %get3A_637 = vector.shape_cast %get3A_636 : vector<1x16xf32> to vector<16xf32>
      %abs3A_638 = math.absf %get3A_637 : vector<16xf32>
      %add3A_639 = arith.addf %add3A_594, %abs3A_638 : vector<16xf32>
      %get3A_640 = arith.index_cast %add3A_606 : i32 to index
      %get3A_641 = arith.constant 48 : index
      %get3A_642 = tpu.vector_load %arg5[%get3A_640, %get3A_641] {strides = array<i32>} : memref<80x64xf32, #tpu.memory_space<vmem>>, vector<1x16xf32>,
      %get3A_643 = vector.shape_cast %get3A_642 : vector<1x16xf32> to vector<16xf32>
      %abs3A_644 = math.absf %get3A_643 : vector<16xf32>
      %add3A_645 = arith.addf %add3A_600, %abs3A_644 : vector<16xf32>
      %mul3A_646 = arith.constant 4 : i32
      %mul3A_647 = arith.muli %mul3A_646, %scan3A_380 : i32
      %add3A_648 = arith.constant 32 : i32
      %add3A_649 = arith.addi %add3A_648, %mul3A_647 : i32
      %add3A_650 = arith.constant 2 : i32
      %add3A_651 = arith.addi %add3A_649, %add3A_650 : i32
      %get3A_652 = arith.index_cast %add3A_651 : i32 to index
      %get3A_653 = arith.constant 0 : index
      %get3A_654 = tpu.vector_load %arg5[%get3A_652, %get3A_653] {strides = array<i32>} : memref<80x64xf32, #tpu.memory_space<vmem>>, vector<1x16xf32>,
      %get3A_655 = vector.shape_cast %get3A_654 : vector<1x16xf32> to vector<16xf32>
      %abs3A_656 = math.absf %get3A_655 : vector<16xf32>
      %ge3A_657 = arith.constant 0.000000e+00 : f32
      %ge3A_658 = vector.broadcast %ge3A_657 : f32 to vector<16xf32>
      %ge3A_659 = arith.cmpf oge, %get3A_655, %ge3A_658 : vector<16xf32>
      %add3A_660 = arith.constant 1.000000e-01 : f32
      %add3A_661 = vector.broadcast %add3A_660 : f32 to vector<16xf32>
      %add3A_662 = arith.addf %abs3A_656, %add3A_661 : vector<16xf32>
      %mul3A_663 = arith.constant 1.000000e-01 : f32
      %mul3A_664 = vector.broadcast %mul3A_663 : f32 to vector<16xf32>
      %mul3A_665 = arith.mulf %mul3A_664, %get3A_655 : vector<16xf32>
      %select_n3A_666 = arith.select %ge3A_659, %add3A_662, %mul3A_665 : vector<16xi1>, vector<16xf32>
      %mul3A_667 = arith.constant 0.00158730161 : f32
      %mul3A_668 = vector.broadcast %mul3A_667 : f32 to vector<16xf32>
      %mul3A_669 = arith.mulf %mul3A_668, %abs3A_656 : vector<16xf32>
      %sub3A_670 = arith.subf %select_n3A_666, %mul3A_669 : vector<16xf32>
      %add3A_671 = arith.addf %add3A_626, %sub3A_670 : vector<16xf32>
      %add3A_672 = arith.addf %add3A_627, %abs3A_656 : vector<16xf32>
      %get3A_673 = arith.index_cast %add3A_651 : i32 to index
      %get3A_674 = arith.constant 16 : index
      %get3A_675 = tpu.vector_load %arg5[%get3A_673, %get3A_674] {strides = array<i32>} : memref<80x64xf32, #tpu.memory_space<vmem>>, vector<1x16xf32>,
      %get3A_676 = vector.shape_cast %get3A_675 : vector<1x16xf32> to vector<16xf32>
      %abs3A_677 = math.absf %get3A_676 : vector<16xf32>
      %add3A_678 = arith.addf %add3A_633, %abs3A_677 : vector<16xf32>
      %get3A_679 = arith.index_cast %add3A_651 : i32 to index
      %get3A_680 = arith.constant 32 : index
      %get3A_681 = tpu.vector_load %arg5[%get3A_679, %get3A_680] {strides = array<i32>} : memref<80x64xf32, #tpu.memory_space<vmem>>, vector<1x16xf32>,
      %get3A_682 = vector.shape_cast %get3A_681 : vector<1x16xf32> to vector<16xf32>
      %abs3A_683 = math.absf %get3A_682 : vector<16xf32>
      %add3A_684 = arith.addf %add3A_639, %abs3A_683 : vector<16xf32>
      %get3A_685 = arith.index_cast %add3A_651 : i32 to index
      %get3A_686 = arith.constant 48 : index
      %get3A_687 = tpu.vector_load %arg5[%get3A_685, %get3A_686] {strides = array<i32>} : memref<80x64xf32, #tpu.memory_space<vmem>>, vector<1x16xf32>,
      %get3A_688 = vector.shape_cast %get3A_687 : vector<1x16xf32> to vector<16xf32>
      %abs3A_689 = math.absf %get3A_688 : vector<16xf32>
      %add3A_690 = arith.addf %add3A_645, %abs3A_689 : vector<16xf32>
      %mul3A_691 = arith.constant 4 : i32
      %mul3A_692 = arith.muli %mul3A_691, %scan3A_380 : i32
      %add3A_693 = arith.constant 32 : i32
      %add3A_694 = arith.addi %add3A_693, %mul3A_692 : i32
      %add3A_695 = arith.constant 3 : i32
      %add3A_696 = arith.addi %add3A_694, %add3A_695 : i32
      %get3A_697 = arith.index_cast %add3A_696 : i32 to index
      %get3A_698 = arith.constant 0 : index
      %get3A_699 = tpu.vector_load %arg5[%get3A_697, %get3A_698] {strides = array<i32>} : memref<80x64xf32, #tpu.memory_space<vmem>>, vector<1x16xf32>,
      %get3A_700 = vector.shape_cast %get3A_699 : vector<1x16xf32> to vector<16xf32>
      %abs3A_701 = math.absf %get3A_700 : vector<16xf32>
      %ge3A_702 = arith.constant 0.000000e+00 : f32
      %ge3A_703 = vector.broadcast %ge3A_702 : f32 to vector<16xf32>
      %ge3A_704 = arith.cmpf oge, %get3A_700, %ge3A_703 : vector<16xf32>
      %add3A_705 = arith.constant 1.000000e-01 : f32
      %add3A_706 = vector.broadcast %add3A_705 : f32 to vector<16xf32>
      %add3A_707 = arith.addf %abs3A_701, %add3A_706 : vector<16xf32>
      %mul3A_708 = arith.constant 1.000000e-01 : f32
      %mul3A_709 = vector.broadcast %mul3A_708 : f32 to vector<16xf32>
      %mul3A_710 = arith.mulf %mul3A_709, %get3A_700 : vector<16xf32>
      %select_n3A_711 = arith.select %ge3A_704, %add3A_707, %mul3A_710 : vector<16xi1>, vector<16xf32>
      %mul3A_712 = arith.constant 0.00158730161 : f32
      %mul3A_713 = vector.broadcast %mul3A_712 : f32 to vector<16xf32>
      %mul3A_714 = arith.mulf %mul3A_713, %abs3A_701 : vector<16xf32>
      %sub3A_715 = arith.subf %select_n3A_711, %mul3A_714 : vector<16xf32>
      %add3A_716 = arith.addf %add3A_671, %sub3A_715 : vector<16xf32>
      %add3A_717 = arith.addf %add3A_672, %abs3A_701 : vector<16xf32>
      %get3A_718 = arith.index_cast %add3A_696 : i32 to index
      %get3A_719 = arith.constant 16 : index
      %get3A_720 = tpu.vector_load %arg5[%get3A_718, %get3A_719] {strides = array<i32>} : memref<80x64xf32, #tpu.memory_space<vmem>>, vector<1x16xf32>,
      %get3A_721 = vector.shape_cast %get3A_720 : vector<1x16xf32> to vector<16xf32>
      %abs3A_722 = math.absf %get3A_721 : vector<16xf32>
      %add3A_723 = arith.addf %add3A_678, %abs3A_722 : vector<16xf32>
      %get3A_724 = arith.index_cast %add3A_696 : i32 to index
      %get3A_725 = arith.constant 32 : index
      %get3A_726 = tpu.vector_load %arg5[%get3A_724, %get3A_725] {strides = array<i32>} : memref<80x64xf32, #tpu.memory_space<vmem>>, vector<1x16xf32>,
      %get3A_727 = vector.shape_cast %get3A_726 : vector<1x16xf32> to vector<16xf32>
      %abs3A_728 = math.absf %get3A_727 : vector<16xf32>
      %add3A_729 = arith.addf %add3A_684, %abs3A_728 : vector<16xf32>
      %get3A_730 = arith.index_cast %add3A_696 : i32 to index
      %get3A_731 = arith.constant 48 : index
      %get3A_732 = tpu.vector_load %arg5[%get3A_730, %get3A_731] {strides = array<i32>} : memref<80x64xf32, #tpu.memory_space<vmem>>, vector<1x16xf32>,
      %get3A_733 = vector.shape_cast %get3A_732 : vector<1x16xf32> to vector<16xf32>
      %abs3A_734 = math.absf %get3A_733 : vector<16xf32>
      %add3A_735 = arith.addf %add3A_690, %abs3A_734 : vector<16xf32>
      %mul3A_736 = arith.constant 2 : i32
      %mul3A_737 = arith.muli %mul3A_736, %scan3A_380 : i32
      %add3A_738 = arith.constant 64 : i32
      %add3A_739 = arith.addi %add3A_738, %mul3A_737 : i32
      %get3A_740 = arith.index_cast %add3A_739 : i32 to index
      %get3A_741 = arith.constant 0 : index
      %get3A_742 = tpu.vector_load %arg5[%get3A_740, %get3A_741] {strides = array<i32>} : memref<80x64xf32, #tpu.memory_space<vmem>>, vector<1x16xf32>,
      %get3A_743 = vector.shape_cast %get3A_742 : vector<1x16xf32> to vector<16xf32>
      %abs3A_744 = math.absf %get3A_743 : vector<16xf32>
      %mul3A_745 = arith.constant 2 : i32
      %mul3A_746 = arith.muli %mul3A_745, %scan3A_380 : i32
      %add3A_747 = arith.constant 65 : i32
      %add3A_748 = arith.addi %add3A_747, %mul3A_746 : i32
      %get3A_749 = arith.index_cast %add3A_748 : i32 to index
      %get3A_750 = arith.constant 0 : index
      %get3A_751 = tpu.vector_load %arg5[%get3A_749, %get3A_750] {strides = array<i32>} : memref<80x64xf32, #tpu.memory_space<vmem>>, vector<1x16xf32>,
      %get3A_752 = vector.shape_cast %get3A_751 : vector<1x16xf32> to vector<16xf32>
      %abs3A_753 = math.absf %get3A_752 : vector<16xf32>
      %add3A_754 = arith.addf %abs3A_744, %abs3A_753 : vector<16xf32>
      %add3A_755 = arith.addf %add3A_537, %add3A_716 : vector<16xf32>
      %mul3A_756 = arith.constant 2.000000e+00 : f32
      %mul3A_757 = vector.broadcast %mul3A_756 : f32 to vector<16xf32>
      %mul3A_758 = arith.mulf %mul3A_757, %add3A_754 : vector<16xf32>
      %add3A_759 = arith.addf %add3A_755, %mul3A_758 : vector<16xf32>
      %mul3A_760 = arith.mulf %add3A_759, %select_n3A_387 : vector<16xf32>
      %add3A_761 = arith.addf %scan3A_381, %mul3A_760 : vector<16xf32>
      scf.yield %add3A_761, %add3A_717, %add3A_723, %add3A_729, %add3A_735 : vector<16xf32>, vector<16xf32>, vector<16xf32>, vector<16xf32>, vector<16xf32>
    }
    %scan3A_318 = arith.constant 8 : i32
    %add3A_319 = arith.addf %scan3A_317#1, %scan3A_317#2 : vector<16xf32>
    %add3A_320 = arith.addf %scan3A_317#3, %scan3A_317#4 : vector<16xf32>
    %add3A_321 = arith.addf %add3A_319, %add3A_320 : vector<16xf32>
    %mul3A_322 = arith.constant 0.00158730161 : f32
    %mul3A_323 = vector.broadcast %mul3A_322 : f32 to vector<16xf32>
    %mul3A_324 = arith.mulf %mul3A_323, %add3A_321 : vector<16xf32>
    %add3A_325 = arith.addf %scan3A_317#0, %mul3A_324 : vector<16xf32>
    %slice3A = vector.extract_strided_slice %add3A_325 {offsets = [0], sizes = [1], strides = [1]} : vector<16xf32> to vector<1xf32>
    %squeeze3A = vector.extract %slice3A[0] : f32 from vector<1xf32>
    %add3A_326 = arith.constant 0.000000e+00 : f32
    %add3A_327 = arith.addf %add3A_326, %squeeze3A : f32
    %slice3A_328 = vector.extract_strided_slice %add3A_325 {offsets = [1], sizes = [1], strides = [1]} : vector<16xf32> to vector<1xf32>
    %squeeze3A_329 = vector.extract %slice3A_328[0] : f32 from vector<1xf32>
    %add3A_330 = arith.addf %add3A_327, %squeeze3A_329 : f32
    %slice3A_331 = vector.extract_strided_slice %add3A_325 {offsets = [2], sizes = [1], strides = [1]} : vector<16xf32> to vector<1xf32>
    %squeeze3A_332 = vector.extract %slice3A_331[0] : f32 from vector<1xf32>
    %add3A_333 = arith.addf %add3A_330, %squeeze3A_332 : f32
    %slice3A_334 = vector.extract_strided_slice %add3A_325 {offsets = [3], sizes = [1], strides = [1]} : vector<16xf32> to vector<1xf32>
    %squeeze3A_335 = vector.extract %slice3A_334[0] : f32 from vector<1xf32>
    %add3A_336 = arith.addf %add3A_333, %squeeze3A_335 : f32
    %slice3A_337 = vector.extract_strided_slice %add3A_325 {offsets = [4], sizes = [1], strides = [1]} : vector<16xf32> to vector<1xf32>
    %squeeze3A_338 = vector.extract %slice3A_337[0] : f32 from vector<1xf32>
    %add3A_339 = arith.addf %add3A_336, %squeeze3A_338 : f32
    %slice3A_340 = vector.extract_strided_slice %add3A_325 {offsets = [5], sizes = [1], strides = [1]} : vector<16xf32> to vector<1xf32>
    %squeeze3A_341 = vector.extract %slice3A_340[0] : f32 from vector<1xf32>
    %add3A_342 = arith.addf %add3A_339, %squeeze3A_341 : f32
    %slice3A_343 = vector.extract_strided_slice %add3A_325 {offsets = [6], sizes = [1], strides = [1]} : vector<16xf32> to vector<1xf32>
    %squeeze3A_344 = vector.extract %slice3A_343[0] : f32 from vector<1xf32>
    %add3A_345 = arith.addf %add3A_342, %squeeze3A_344 : f32
    %slice3A_346 = vector.extract_strided_slice %add3A_325 {offsets = [7], sizes = [1], strides = [1]} : vector<16xf32> to vector<1xf32>
    %squeeze3A_347 = vector.extract %slice3A_346[0] : f32 from vector<1xf32>
    %add3A_348 = arith.addf %add3A_345, %squeeze3A_347 : f32
    %slice3A_349 = vector.extract_strided_slice %add3A_325 {offsets = [8], sizes = [1], strides = [1]} : vector<16xf32> to vector<1xf32>
    %squeeze3A_350 = vector.extract %slice3A_349[0] : f32 from vector<1xf32>
    %add3A_351 = arith.addf %add3A_348, %squeeze3A_350 : f32
    %slice3A_352 = vector.extract_strided_slice %add3A_325 {offsets = [9], sizes = [1], strides = [1]} : vector<16xf32> to vector<1xf32>
    %squeeze3A_353 = vector.extract %slice3A_352[0] : f32 from vector<1xf32>
    %add3A_354 = arith.addf %add3A_351, %squeeze3A_353 : f32
    %slice3A_355 = vector.extract_strided_slice %add3A_325 {offsets = [10], sizes = [1], strides = [1]} : vector<16xf32> to vector<1xf32>
    %squeeze3A_356 = vector.extract %slice3A_355[0] : f32 from vector<1xf32>
    %add3A_357 = arith.addf %add3A_354, %squeeze3A_356 : f32
    %slice3A_358 = vector.extract_strided_slice %add3A_325 {offsets = [11], sizes = [1], strides = [1]} : vector<16xf32> to vector<1xf32>
    %squeeze3A_359 = vector.extract %slice3A_358[0] : f32 from vector<1xf32>
    %add3A_360 = arith.addf %add3A_357, %squeeze3A_359 : f32
    %slice3A_361 = vector.extract_strided_slice %add3A_325 {offsets = [12], sizes = [1], strides = [1]} : vector<16xf32> to vector<1xf32>
    %squeeze3A_362 = vector.extract %slice3A_361[0] : f32 from vector<1xf32>
    %add3A_363 = arith.addf %add3A_360, %squeeze3A_362 : f32
    %slice3A_364 = vector.extract_strided_slice %add3A_325 {offsets = [13], sizes = [1], strides = [1]} : vector<16xf32> to vector<1xf32>
    %squeeze3A_365 = vector.extract %slice3A_364[0] : f32 from vector<1xf32>
    %add3A_366 = arith.addf %add3A_363, %squeeze3A_365 : f32
    %slice3A_367 = vector.extract_strided_slice %add3A_325 {offsets = [14], sizes = [1], strides = [1]} : vector<16xf32> to vector<1xf32>
    %squeeze3A_368 = vector.extract %slice3A_367[0] : f32 from vector<1xf32>
    %add3A_369 = arith.addf %add3A_366, %squeeze3A_368 : f32
    %slice3A_370 = vector.extract_strided_slice %add3A_325 {offsets = [15], sizes = [1], strides = [1]} : vector<16xf32> to vector<1xf32>
    %squeeze3A_371 = vector.extract %slice3A_370[0] : f32 from vector<1xf32>
    %add3A_372 = arith.addf %add3A_369, %squeeze3A_371 : f32
    %mul3A_373 = arith.constant 6.250000e-03 : f32
    %mul3A_374 = arith.mulf %add3A_372, %mul3A_373 : f32
    %broadcast_in_dim3A_375 = vector.broadcast %mul3A_374 : f32 to vector<16xf32>
    %swap3A_376 = arith.constant 0 : index
    %swap3A_377 = tpu.vector_load %arg6[%swap3A_376] {strides = array<i32>} : memref<16xf32, #tpu.memory_space<vmem>>, vector<16xf32>,
    %swap3A_378 = vector.shape_cast %swap3A_377 : vector<16xf32> to vector<16xf32>
    %swap3A_379 = vector.shape_cast %broadcast_in_dim3A_375 : vector<16xf32> to vector<16xf32>
    tpu.vector_store %arg6[%swap3A_376], %swap3A_379 {strides = array<i32>} : memref<16xf32, #tpu.memory_space<vmem>>, vector<16xf32>,
    "tpu.region"() ({
      %run_scoped3A = tpu.sem_alloc : memref<!tpu.dma_semaphore, #tpu.memory_space<semaphore_mem>>
      %dma_start3A_380 = arith.constant 0 : i32
      %dma_start3A_381 = tpu.memref_slice %arg6[%dma_start3A_380] : memref<16xf32, #tpu.memory_space<vmem>> -> memref<1xf32, #tpu.memory_space<vmem>>
      %dma_start3A_382 = arith.constant 0 : i32
      %dma_start3A_383 = tpu.memref_slice %arg6[%dma_start3A_382] : memref<16xf32, #tpu.memory_space<vmem>> -> memref<1xf32, #tpu.memory_space<vmem>>
      tpu.enqueue_dma source(%dma_start3A_383 : memref<1xf32, #tpu.memory_space<vmem>>) target(%arg3 : memref<1xf32, #tpu.memory_space<hbm>>) target_semaphore(%run_scoped3A : memref<!tpu.dma_semaphore, #tpu.memory_space<semaphore_mem>>)
      %dma_wait3A_384 = arith.constant 0 : i32
      %dma_wait3A_385 = tpu.memref_slice %arg6[%dma_wait3A_384] : memref<16xf32, #tpu.memory_space<vmem>> -> memref<1xf32, #tpu.memory_space<vmem>>
      %dma_wait3A_386 = arith.constant 0 : i32
      %dma_wait3A_387 = tpu.memref_slice %arg6[%dma_wait3A_386] : memref<16xf32, #tpu.memory_space<vmem>> -> memref<1xf32, #tpu.memory_space<vmem>>
      tpu.wait_dma2 semaphore(%run_scoped3A : memref<!tpu.dma_semaphore, #tpu.memory_space<semaphore_mem>>) src(%dma_wait3A_387 : memref<1xf32, #tpu.memory_space<vmem>>) dst(%arg3 : memref<1xf32, #tpu.memory_space<hbm>>)
      tpu.yield
    }) : () -> ()
    return
  }
}

</mosaic_0001>

<sc_bundles>
// kernel: kernel.3.cloned.1.call-start
scs
__scs_entry_jumppad:
0x0: {  	(pc) =	sbr.rel $0x88, $3  }
0x1: {  	(tag) =	ssettag $0x0;
	lr =	simm.s32 $0x1  }
0x2: {  	[smem:$0x3FA0] =	sst lr;
	_ =	strace $0xD0000000  }
0x3: {  	_ = 	snop  }
0x4: {  	_ = 	snop  }
0x5: {  	_ = 	snop  }
0x6: {  	_ = 	snop  }
0x7: {  	_ = 	snop  }
__scs_overlays_trampoline_lowered:
0x8: {  	[smem:$0x3FAF] =	sst s0  }
0x9: {  	[smem:$0x3FB0] =	sst s1  }
0xa: {  	[smem:$0x3FB1] =	sst s2  }
0xb: {  	[smem:$0x3FB2] =	sst s3  }
0xc: {  	[smem:$0x3FB3] =	sst s4  }
0xd: {  	[smem:$0x3FB4] =	sst s5  }
0xe: {  	[smem:$0x3FB5] =	sst s6  }
0xf: {  	[smem:$0x3FB6] =	sst s7  }
0x10: {  	[smem:$0x3FB7] =	sst s8  }
0x11: {  	[smem:$0x3FB8] =	sst s9;
	s0 =	simm.s32 @!p0 $0x0  }
0x12: {  	s1 =	sld [smem:$0x3F9E];
	s0 =	simm.s32 @p0 $0x1  }
0x13: {  	[smem:$0x3FB9] =	sst s0;
	s0 =	simm.s32 @!p1 $0x0  }
0x14: {  	s2 =	sld [smem:$0x3F9D];
	s0 =	simm.s32 @p1 $0x1  }
0x15: {  	[smem:$0x3FBA] =	sst s0;
	s0 =	simm.s32 @!p2 $0x0  }
0x16: {  	s3 =	sld [smem:$0x3FDB];
	s0 =	simm.s32 @p2 $0x1  }
0x17: {  	s4 =	simm.s32 $0x1BF5;
	[smem:$0x3FBC] =	sst s0  }
0x18: {  	s0 =	sld [smem:$0x3F9F];
	_ =	swait.ge [sflag:s4], $0x0  }
0x19: {  	s7 =	sld [smem:$0x3FA0]  }
0x1a: {  	s8 =	sadd.s32 $0xFFFFE003, lr  }
0x1b: {  	s9 =	sadd.s32 $0xFFFFFEF7, lr;
	s5 =	simm.s32 $0xFFFFFFFF;
	p2 =	slt.u32 s8, $0xFFFFF086  }
0x1c: {  	p1 =	slt.u32 s9, $0xF7A;
	s5 =	simm.s32 @!p2 $0x0  }
0x1d: {  	s5 =	simm.s32 @p1 $0x1;
	p0 =	seq.s32 s7, s2  }
0x1e: {  	s7 =	smul.u32 @!p0 $0xF7A, s2;
	p2 =	seq.s32 @!p0 s5, $0x0  }
0x1f: {  	s9 =	smul.u32 $0xF7A, s1;
	s8 =	simm.s32 @!p0 $0x1BF5;
	p2 =	por !p2, p0  }
0x20: {  	[sflag:s8] =	ssyncset.s32 @!p0 $0xFFFFF086;
	s6 =	sadd.s32 @!p0 s3, s7;
	s7 =	simm.s32 @!p0 $0x108  }
0x21: {  	s3 =	sadd.s32 s3, s9;
	s6 =	sadd.s32 @!p0 $0x88, s6;
	s7 =	simm.s32 @p2 $0x1082  }
0x22: {  	[simem:s7], [sflag:s8] =	dma.local @!p0 [hbm:s6], $0xF7A  }
0x23: {  	s9 =	sor.u32 $0xD0000000, s2;
	s6 =	simm.s32 $0x108;
	_ =	swait.ge @!p0 [sflag:s8], $0x0  }
0x24: {  	s3 =	sadd.s32 $0x88, s3;
	s6 =	simm.s32 @!p1 $0x1082;
	[sflag:s4] =	ssyncset.s32 $0xFFFFF086  }
0x25: {  	[simem:s6], [sflag:s4] =	dma.local [hbm:s3], $0xF7A  }
0x26: {  	[smem:$0x3FA0] =	sst s1;
	(tag) =	ssettag s2;
	_ =	strace s9  }
0x27: {  	s1 =	sld [smem:$0x3FB0]  }
0x28: {  	s2 =	sld [smem:$0x3FB1]  }
0x29: {  	s4 =	sld [smem:$0x3FB3]  }
0x2a: {  	p0 =	seq.s32 s5, $0x0;
	s5 =	sld [smem:$0x3FB4]  }
0x2b: {  	s6 =	sld [smem:$0x3FB5]  }
0x2c: {  	s7 =	sld [smem:$0x3FB6]  }
0x2d: {  	s3 =	simm.s32 $0x108;
	s8 =	sld [smem:$0x3FB7]  }
0x2e: {  	s3 =	simm.s32 @!p0 $0x1082;
	s9 =	sld [smem:$0x3FB8]  }
0x2f: {  	lr =	sadd.s32 s0, s3;
	s0 =	sld [smem:$0x3FAF]  }
0x30: {  	s3 =	sld [smem:$0x3FB2]  }
0x31: {  	[smem:$0x3FBB] =	sst s10  }
0x32: {  	s10 =	sld [smem:$0x3FB9];
	_ =	sdelay $0x3  }
0x33: {  	p0 =	seq.s32 s10, $0x1;
	s10 =	sld [smem:$0x3FBB];
	_ =	sdelay $0x3  }
0x34: {  	[smem:$0x3FBB] =	sst s10  }
0x35: {  	s10 =	sld [smem:$0x3FBA];
	_ =	sdelay $0x3  }
0x36: {  	p1 =	seq.s32 s10, $0x1;
	s10 =	sld [smem:$0x3FBB];
	_ =	sdelay $0x3  }
0x37: {  	[smem:$0x3FBB] =	sst s10  }
0x38: {  	s10 =	sld [smem:$0x3FBC]  }
0x39: {  	_ = 	snop;
	(pc) =	sbr.ind lr, $3  }
0x3a: {  	_ = 	snop  }
0x3b: {  	_ = 	snop  }
0x3c: {  	p2 =	seq.s32 s10, $0x1;
	s10 =	sld [smem:$0x3FBB]  }
0x3d: {  	_ =	shalt  }
0x3e: {  	_ =	shalt  }
0x3f: {  	_ =	shalt  }
0x40: {  	_ =	shalt  }
0x41: {  	_ =	shalt  }
0x42: {  	_ =	shalt  }
0x43: {  	_ =	shalt  }
0x44: {  	_ =	shalt  }
0x45: {  	_ =	shalt  }
0x46: {  	_ =	shalt  }
0x47: {  	_ =	shalt  }
0x48: {  	_ =	shalt  }
0x49: {  	_ =	shalt  }
0x4a: {  	_ =	shalt  }
0x4b: {  	_ =	shalt  }
0x4c: {  	_ =	shalt  }
0x4d: {  	_ =	shalt  }
0x4e: {  	_ =	shalt  }
0x4f: {  	_ =	shalt  }
0x50: {  	_ =	shalt  }
0x51: {  	_ =	shalt  }
0x52: {  	_ =	shalt  }
0x53: {  	_ =	shalt  }
0x54: {  	_ =	shalt  }
0x55: {  	_ =	shalt  }
0x56: {  	_ =	shalt  }
0x57: {  	_ =	shalt  }
0x58: {  	_ =	shalt  }
0x59: {  	_ =	shalt  }
0x5a: {  	_ =	shalt  }
0x5b: {  	_ =	shalt  }
0x5c: {  	_ =	shalt  }
0x5d: {  	_ =	shalt  }
0x5e: {  	_ =	shalt  }
0x5f: {  	_ =	shalt  }
0x60: {  	_ =	shalt  }
0x61: {  	_ =	shalt  }
0x62: {  	_ =	shalt  }
0x63: {  	_ =	shalt  }
0x64: {  	_ =	shalt  }
0x65: {  	_ =	shalt  }
0x66: {  	_ =	shalt  }
0x67: {  	_ =	shalt  }
0x68: {  	_ =	shalt  }
0x69: {  	_ =	shalt  }
0x6a: {  	_ =	shalt  }
0x6b: {  	_ =	shalt  }
0x6c: {  	_ =	shalt  }
0x6d: {  	_ =	shalt  }
0x6e: {  	_ =	shalt  }
0x6f: {  	_ =	shalt  }
0x70: {  	_ =	shalt  }
0x71: {  	_ =	shalt  }
0x72: {  	_ =	shalt  }
0x73: {  	_ =	shalt  }
0x74: {  	_ =	shalt  }
0x75: {  	_ =	shalt  }
0x76: {  	_ =	shalt  }
0x77: {  	_ =	shalt  }
0x78: {  	_ =	shalt  }
0x79: {  	_ =	shalt  }
0x7a: {  	_ =	shalt  }
0x7b: {  	_ =	shalt  }
0x7c: {  	_ =	shalt  }
0x7d: {  	_ =	shalt  }
0x7e: {  	_ =	shalt  }
0x7f: {  	_ =	shalt  }
0x80: {  	_ =	shalt  }
0x81: {  	_ =	shalt  }
0x82: {  	_ =	shalt  }
0x83: {  	_ =	shalt  }
0x84: {  	_ =	shalt  }
0x85: {  	_ =	shalt  }
0x86: {  	_ =	shalt  }
0x87: {  	_ =	shalt  }
.Lfunc_end0:
.L_simem_size_0:
called_computation_lowered:
.L_overlay_start_0:
0x88: {  	s0 =	sld [smem:$0x3FD9]  }
0x89: {  	s1 =	sld [smem:$0x3FFE];
	_ =	sdelay $0x3  }
0x8a: {  	s0 =	sadd.s32 s1, s0  }
0x8b: {  	[smem:$0x3FC7] =	sst s0  }
0x8c: {  	_ = 	snop  }
0x8d: {  	s0 =	sld [smem:$0x3FD0];
	(tm) =	ssettm $0x1  }
0x8e: {  	s16 =	sld [smem:$0x3FFB];
	_ =	sdelay $0x3  }
0x8f: {  	_ =	strace s16  }
0x90: {  	s1 =	sld [smem:$0x3FFC];
	_ =	sdelay $0x3  }
0x91: {  	_ =	strace s1  }
0x92: {  	s1 =	sld [smem:$0x3FFD];
	_ =	sdelay $0x3  }
0x93: {  	_ =	strace s1  }
0x94: {  	_ =	strace $0x8FFFFFFF  }
0x95: {  	s17 =	sld [smem:$0x3FDB];
	_ =	sdelay $0x1  }
0x96: {  	s2 =	simm.s32 $_scs_section_size  }
0x97: {  	s3 =	simm.s32 $_size__tile_overlayer_lowered;
	s4 =	simm.s32 $_tile_overlayer_lowered  }
0x98: {  	s20 =	simm.s32 $0x1BFF;
	s19 =	sshll.u32 s4, $0x1;
	s1 =	sadd.s32 s2, s17  }
0x99: {  	s5 =	simm.s32 $0x0;
	s18 =	sshll.u32 s3, $0x1;
	s3 =	sadd.s32 s19, s1  }
0x9a: {  	[timem:s5], [sflag:s20] =	dma.local [hbm:s3], s18  }
0x9b: {  	_ =	swait.ge [sflag:s20], s18  }
0x9c: {  	s2 =	ssub.s32 $0x0, s18;
	[sflag:s20] =	ssyncset.done $0x0  }
0x9d: {  	[sflag:s20] =	ssyncadd.s32 s2;
	_ =	sdelay $0x1  }
0x9e: {  	s21 =	simm.s32 $0x1B8B  }
0x9f: {  	_ =	swait.ge [sflag:s21], $0x1  }
0xa0: {  	[sflag:s21] =	ssyncset.done $0x0  }
0xa1: {  	s23 =	simm.s32 $0x1B8E;
	s22 =	sld [smem:$0x3FFE];
	[sflag:s21] =	ssyncadd.s32 $0xFFFFFFFF  }
0xa2: {  	s24 =	simm.s32 $execute0_lowered;
	[smem:$0x3FD2] =	sst s23  }
0xa3: {  	s3 =	sshll.u32 s24, $0x1;
	_ =	strace $0x80000046;
	[dreg:$0x1] =	wrdreg $0xFFFFFFFF  }
0xa4: {  	s25 =	simm.s32 $_size_execute0_lowered;
	s1 =	sadd.s32 s1, s3;
	[dreg:$0x0] =	wrdreg $0x0  }
0xa5: {  	s3 =	sshll.u32 s25, $0x1;
	[dreg:$0x2] =	wrdreg s1  }
0xa6: {  	[dreg:$0x3] =	wrdreg s3  }
0xa7: {  	[dreg:$0x4] =	wrdreg $0xC0  }
0xa8: {  	_ =	task [dreg:s5], $0x5FFFF  }
0xa9: {  	[dreg:$0x1] =	wrdreg $0xFFFFFFFF  }
0xaa: {  	[dreg:$0x0] =	wrdreg $0x60  }
0xab: {  	[dreg:$0x2] =	wrdreg s22  }
0xac: {  	[dreg:$0x3] =	wrdreg s0  }
0xad: {  	[dreg:$0x4] =	wrdreg $0x9  }
0xae: {  	_ =	task.clear_ibuf [dreg:s5], $0x5FFFF;
	_ =	strace $0x90000046  }
0xaf: {  	s26 =	simm.s32 $0x9;
	_ =	strace $0x80000048  }
0xb0: {  	_ =	swait.ge [sflag:s26], $0x1  }
0xb1: {  	[sflag:s26] =	ssyncadd.s32 $0xFFFFFFFF  }
0xb2: {  	_ =	strace $0x90000048  }
0xb3: {  	_ =	sfence  }
0xb4: {  	s28 =	sld [smem:$0x0];
	_ =	sdelay $0x1  }
0xb5: {  	s29 =	srdreg.scid  }
0xb6: {  	s30 =	sshll.u32 s29, $0xD;
	s31 =	sshrl.u32 s29, $0x2  }
0xb7: {  	s2 =	sand.u32 $0x4000, s30;
	s1 =	sand.u32 $0x1, s29;
	s0 =	sadd.s32 s31, s28  }
0xb8: {  	s1 =	sor.u32 s2, s1;
	s0 =	sshll.u32 s0, $0x11  }
0xb9: {  	s0 =	sor.u32 s0, s1  }
0xba: {  	s0 =	sadd.s32 $0x8F2B, s0  }
0xbb: {  	[sflag:s0] =	ssyncadd.remote.s32 $0x1  }
0xbc: {  	_ =	sfence.sel $0xFFFF  }
0xbd: {  	[dreg:$0x0] =	wrdreg $0xFFFFFFFF;
	(pc) =	sbr.abs _section_cstart, $3  }
0xbe: {  	[dreg:$0x1] =	wrdreg $0xFFFFFFFF  }
0xbf: {  	_ =	task.clear_ibuf [dreg:s5], $0x2FFFF;
	_ =	strace $0x9FFFFFFF  }
0xc0: {  	(tm) =	ssettm $0x7FFFFFFF  }
0xc1: {  	_ =	shalt  }
tec
execute0_lowered:
.L_overlay_start_1:
0x0: {  	(tag) =	ssettag $0x1  }
0x1: {  	s3 =	stileid.u32  }
0x2: {  	p0 =	sne.s32 s3, $0x0  }
.Ltmp0:
0x3: {  	_ = 	snop;
	(pc) =	sbr.rel @p0 .LBB2_4-.Ltmp0, $4  }
0x4: {  	_ = 	snop  }
0x5: {  	s2 =	rddreg [dreg:$0x0]  }
0x6: {  	s1 =	rddreg [dreg:$0x1]  }
0x7: {  	s0 =	rddreg [dreg:$0x2];
	_ =	strace $0x80000047  }
0x8: {  	v0 =	vimm.s32 $0x3020100;
	v1 =	vimm.s32 $0x67666564;
	v2 =	vimm.s32 $0xCBCAC9C8  }
0x9: {  	vm0 =	vcmask $0xF00;
	vm1 =	vcmask $0x1F10;
	vm2 =	vcmask $0x2F20  }
0xa: {  	vm3 =	vcmask $0x300;
	v3 =	vimm.s32 $0xD0C0B0A;
	v4 =	vimm.s32 $0x71706F6E  }
0xb: {  	vm4 =	vcmask $0x704;
	vm5 =	vcmask $0xB08;
	v5 =	vimm.s32 $0xD5D4D3D2  }
0xc: {  	vm10 =	vcmask $0xF0C;
	vm11 =	vcmask $0x1310;
	vm12 =	vcmask $0x1714  }
0xd: {  	vm13 =	vcmask $0x1B18;
	vm14 =	vcmask $0x1F1C;
	vm15 =	vcmask $0x2320  }
0xe: {  	vm6 =	vcmask $0x2724;
	vm7 =	vcmask $0x2B28;
	v0 =	vunpack.c.0.s8.s32 v0  }
0xf: {  	v1 =	vunpack.c.0.s8.s32 v1;
	v3 =	vunpack.c.0.s8.s32 v3;
	v4 =	vunpack.c.0.s8.s32 v4  }
0x10: {  	vm8 =	vcmask $0x3734;
	v2 =	vunpack.c.0.s8.s32 v2;
	v0 =	vnsel vm0, $0x12F, v0  }
0x11: {  	v1 =	vand.u32 $0xFF, v1;
	v3 =	vnsel vm0, $0x139, v3;
	v4 =	vand.u32 $0xFF, v4  }
0x12: {  	v0 =	vsel vm1, v1, v0;
	v1 =	vand.u32 $0xFF, v2;
	v2 =	vimm.s32 $0x2BF  }
0x13: {  	v3 =	vsel vm1, v4, v3;
	v4 =	vimm.s32 $0x79781514;
	v2 =	vsel vm3, $0x190, v2  }
0x14: {  	v5 =	vunpack.c.0.s8.s32 v5;
	v4 =	vunpack.c.0.s8.s32 v4;
	v2 =	vsel vm4, $0x191, v2  }
0x15: {  	vm9 =	vcmask $0x2F2C;
	v0 =	vsel vm2, v1, v0;
	v2 =	vsel vm5, $0x192, v2  }
0x16: {  	v4 =	vand.u32 $0xFF, v4;
	v1 =	vsel vm10, $0x193, v2;
	v2 =	vand.u32 $0xFF, v5  }
0x17: {  	v4 =	vnsel vm0, $0x2D1, v4;
	v2 =	vsel vm2, v2, v3;
	v3 =	vimm.s32 $0x2C9  }
0x18: {  	v1 =	vsel vm11, $0x1F4, v1;
	v4 =	vsel vm11, $0xDC, v4;
	v3 =	vsel vm3, $0x19A, v3  }
0x19: {  	v1 =	vsel vm12, $0x1F5, v1;
	v4 =	vsel vm12, $0xDD, v4;
	v3 =	vsel vm4, $0x19B, v3  }
0x1a: {  	v1 =	vsel vm13, $0x1F6, v1;
	v4 =	vsel vm13, $0x140, v4;
	v3 =	vsel vm5, $0x19C, v3  }
0x1b: {  	v1 =	vsel vm14, $0x1F7, v1;
	vm5 =	vcmask $0x3330;
	v3 =	vsel vm10, $0x19D, v3  }
0x1c: {  	v4 =	vsel vm14, $0x141, v4;
	v1 =	vsel vm15, $0x258, v1;
	v3 =	vsel vm11, $0x1FE, v3  }
0x1d: {  	v0 =	vsel vm5, $0x12C, v0;
	v4 =	vsel vm15, $0x1A4, v4;
	v3 =	vsel vm12, $0x1FF, v3  }
0x1e: {  	vm10 =	vcmask $0x3B38;
	v2 =	vsel vm5, $0x136, v2;
	v3 =	vsel vm13, $0x200, v3  }
0x1f: {  	v1 =	vsel vm6, $0x259, v1;
	v4 =	vsel vm6, $0x1A5, v4;
	v3 =	vsel vm14, $0x201, v3  }
0x20: {  	v0 =	vsel vm8, $0x12D, v0;
	v1 =	vsel vm7, $0x25A, v1;
	v3 =	vsel vm15, $0x262, v3  }
0x21: {  	v4 =	vsel vm7, $0x208, v4;
	v1 =	vsel vm9, $0x25B, v1;
	v3 =	vsel vm6, $0x263, v3  }
0x22: {  	v0 =	vsel vm10, $0x12E, v0;
	v1 =	vsel vm5, $0x2BC, v1;
	v3 =	vsel vm7, $0x264, v3  }
0x23: {  	v4 =	vsel vm9, $0x209, v4;
	v1 =	vsel vm8, $0x2BD, v1;
	v3 =	vsel vm9, $0x265, v3  }
0x24: {  	[tilespmem:$0x0] =	vst v0;
	v0 =	vsel vm10, $0x2BE, v1;
	v1 =	vsel vm8, $0x137, v2;
	v2 =	vsel vm5, $0x2C6, v3  }
0x25: {  	[tilespmem:$0x10] =	vst v0;
	v0 =	vsel vm10, $0x138, v1;
	v3 =	vsel vm5, $0x26C, v4;
	v1 =	vsel vm8, $0x2C7, v2  }
0x26: {  	[tilespmem:$0x20] =	vst v0;
	v2 =	vsel vm8, $0x26D, v3;
	v0 =	vsel vm10, $0x2C8, v1  }
0x27: {  	s3 =	sadd.s32 $0x400, s2;
	[tilespmem:$0x30] =	vst v0;
	v0 =	vsel vm10, $0x2D0, v2  }
0x28: {  	s25 =	simm.s32 $0x0;
	s4 =	simm.s32 $0x50;
	s26 =	simm.s32 $0x1;
	[tilespmem:$0x40] =	vst v0  }
0x29: {  	[tilespmem:s4], [sflag:$0x1] =	stream.indirect.gather [hbm4b:s3+s4], $0x40, s25, s4, $0xb8;
	[tilespmem:$0x1460] =	vst v63  }
0x2a: {  	_ =	swait.ge [sflag:s26], $0x1400  }
0x2b: {  	[sflag:s26] =	ssyncset.done $0x0  }
0x2c: {  	s28 =	simm.s32 $0x850;
	[sflag:s26] =	ssyncadd.s32 $0xFFFFEC00  }
0x2d: {  	v1 =	vld [tilespmem:s28+$0xD0]  }
0x2e: {  	v2 =	vld [tilespmem:s28+$0xE0]  }
0x2f: {  	v3 =	vld [tilespmem:s28+$0x90]  }
0x30: {  	v4 =	vld [tilespmem:s28+$0xA0]  }
0x31: {  	v5 =	vld [tilespmem:s28+$0x50]  }
0x32: {  	v6 =	vld [tilespmem:s28+$0x60]  }
0x33: {  	v7 =	vld [tilespmem:s28+$0x10]  }
0x34: {  	v8 =	vld [tilespmem:s28+$0x20]  }
0x35: {  	v9 =	vld [tilespmem:s28+$0xFFFFF8D0]  }
0x36: {  	v10 =	vld [tilespmem:s28+$0xFFFFF8E0]  }
0x37: {  	v11 =	vld [tilespmem:s28+$0xFFFFF890]  }
0x38: {  	v12 =	vld [tilespmem:s28+$0xFFFFF8A0]  }
0x39: {  	v13 =	vld [tilespmem:s28+$0xFFFFF850]  }
0x3a: {  	v14 =	vld [tilespmem:s28+$0xFFFFF860]  }
0x3b: {  	v15 =	vld [tilespmem:s28+$0xFFFFF810]  }
0x3c: {  	v16 =	vld [tilespmem:s28+$0xFFFFF820]  }
0x3d: {  	v0 =	vimm.f32 $0.0e+00;
	v17 =	vld [tilespmem:s28+$0xFFFFF800];
	v1 =	vand.u32 $0x7FFFFFFF, v1;
	v18 =	vand.u32 $0x7FFFFFFF, v2  }
0x3e: {  	v19 =	vld [tilespmem:s28+$0xFFFFF840];
	v5 =	vand.u32 $0x7FFFFFFF, v5;
	v3 =	vand.u32 $0x7FFFFFFF, v3;
	v4 =	vand.u32 $0x7FFFFFFF, v4  }
0x3f: {  	v20 =	vld [tilespmem:s28+$0xFFFFF870];
	v7 =	vand.u32 $0x7FFFFFFF, v7;
	v8 =	vand.u32 $0x7FFFFFFF, v8;
	v6 =	vand.u32 $0x7FFFFFFF, v6  }
0x40: {  	v21 =	vld [tilespmem:s28+$0xFFFFF880];
	v11 =	vand.u32 $0x7FFFFFFF, v11;
	v9 =	vand.u32 $0x7FFFFFFF, v9;
	v10 =	vand.u32 $0x7FFFFFFF, v10  }
0x41: {  	v2 =	vld [tilespmem:s28+$0xFFFFF830];
	v13 =	vand.u32 $0x7FFFFFFF, v13;
	v14 =	vand.u32 $0x7FFFFFFF, v14;
	v15 =	vand.u32 $0x7FFFFFFF, v15  }
0x42: {  	v25 =	vld [tilespmem:s28+$0xFFFFF8C0];
	v12 =	vand.u32 $0x7FFFFFFF, v12;
	v22 =	vand.u32 $0x7FFFFFFF, v17;
	v15 =	vadd.f32 v15, v0  }
0x43: {  	v23 =	vld [tilespmem:s28+$0xFFFFF8B0];
	v16 =	vand.u32 $0x7FFFFFFF, v16;
	v26 =	vand.u32 $0x7FFFFFFF, v19;
	vm11 =	vle.f32 v17, $0.0e+00  }
0x44: {  	v27 =	vld [tilespmem:s28+$0xFFFFF8F0];
	vm13 =	vle.f32 v19, $0.0e+00;
	v16 =	vadd.f32 v16, v0;
	v13 =	vadd.f32 v13, v15  }
0x45: {  	vm15 =	vle.f32 v21, $0.0e+00;
	v24 =	vadd.f32 v22, v0;
	v15 =	vand.u32 $0x7FFFFFFF, v20;
	v20 =	vld [tilespmem:s28+$0x0]  }
0x46: {  	v14 =	vadd.f32 v14, v16;
	v2 =	vand.u32 $0x7FFFFFFF, v2;
	v11 =	vadd.f32 v11, v13  }
0x47: {  	vm5 =	vle.f32 v25, $0.0e+00;
	v24 =	vadd.f32 v26, v24;
	v16 =	vld [tilespmem:s28+$0x30];
	v2 =	vadd.f32 v2, v0  }
0x48: {  	v13 =	vand.u32 $0x7FFFFFFF, v23;
	v23 =	vld [tilespmem:s28+$0x40];
	v12 =	vadd.f32 v12, v14;
	v9 =	vadd.f32 v9, v11  }
0x49: {  	v14 =	vld [tilespmem:s28+$0x70];
	v11 =	vand.u32 $0x7FFFFFFF, v27;
	v2 =	vadd.f32 v15, v2;
	v15 =	vand.u32 $0x7FFFFFFF, v21  }
0x4a: {  	v10 =	vadd.f32 v10, v12;
	vm12 =	vge.f32 v20, $0.0e+00;
	v24 =	vadd.f32 v15, v24  }
0x4b: {  	v27 =	vld [tilespmem:s28+$0x80];
	v7 =	vadd.f32 v7, v9;
	v2 =	vadd.f32 v13, v2;
	v13 =	vand.u32 $0x7FFFFFFF, v25  }
0x4c: {  	v12 =	vld [tilespmem:s28+$0xB0];
	v9 =	vand.u32 $0x7FFFFFFF, v16;
	v8 =	vadd.f32 v8, v10;
	v24 =	vadd.f32 v13, v24  }
0x4d: {  	v16 =	vld [tilespmem:s28+$0xC0];
	vm14 =	vge.f32 v23, $0.0e+00;
	v5 =	vadd.f32 v5, v7;
	v2 =	vadd.f32 v11, v2  }
0x4e: {  	v7 =	vand.u32 $0x7FFFFFFF, v14;
	v6 =	vadd.f32 v6, v8;
	v11 =	vand.u32 $0x7FFFFFFF, v20  }
0x4f: {  	v14 =	vmul.f32 $1.587301610e-03, v22;
	v24 =	vadd.f32 v11, v24;
	v2 =	vadd.f32 v9, v2  }
0x50: {  	v8 =	vand.u32 $0x7FFFFFFF, v27;
	v3 =	vadd.f32 v3, v5;
	v9 =	vand.u32 $0x7FFFFFFF, v23  }
0x51: {  	v10 =	vld [tilespmem:s28+$0xF0];
	vm4 =	vge.f32 v27, $0.0e+00;
	v24 =	vadd.f32 v9, v24;
	v2 =	vadd.f32 v7, v2  }
0x52: {  	v5 =	vand.u32 $0x7FFFFFFF, v12;
	v4 =	vadd.f32 v4, v6;
	v12 =	vand.u32 $0x7FFFFFFF, v16  }
0x53: {  	vm6 =	vge.f32 v16, $0.0e+00;
	v7 =	vadd.f32 v8, v24;
	v6 =	vadd.f32 v5, v2  }
0x54: {  	v5 =	vadd.f32 v18, v4;
	v4 =	vadd.f32 $1.000000010e-01, v11;
	v11 =	vmul.f32 $1.587301610e-03, v11  }
0x55: {  	v18 =	vmul.f32 $-1.000000010e-01, v21;
	v21 =	vmul.f32 $1.000000010e-01, v16;
	v2 =	vadd.f32 v12, v7  }
0x56: {  	v7 =	vadd.f32 v1, v3;
	v1 =	vand.u32 $0x7FFFFFFF, v10;
	v10 =	vmul.f32 $-1.000000010e-01, v17  }
0x57: {  	v3 =	vadd.f32 v1, v6;
	v1 =	vadd.f32 $1.000000010e-01, v22;
	v6 =	vmul.f32 $1.000000010e-01, v20  }
0x58: {  	v17 =	vmul.f32 $-1.000000010e-01, v19;
	v19 =	vmul.f32 $1.000000010e-01, v27;
	v20 =	vadd.f32 $1.000000010e-01, v12  }
0x59: {  	s30 =	simm.s32 $0x950;
	v1 =	vsel vm11, v1, v10;
	v10 =	vadd.f32 $1.000000010e-01, v26;
	v4 =	vsel vm12, v4, v6  }
0x5a: {  	v22 =	vld [tilespmem:s30+$0xFFFFF840];
	v6 =	vadd.f32 $1.000000010e-01, v9;
	v4 =	vsub.f32 v4, v11;
	v11 =	vmul.f32 $1.000000010e-01, v23  }
0x5b: {  	v1 =	vsub.f32 v1, v14;
	v14 =	vmul.f32 $1.587301610e-03, v26;
	v10 =	vsel vm13, v10, v17  }
0x5c: {  	v17 =	vadd.f32 $1.000000010e-01, v15;
	v6 =	vsel vm14, v6, v11;
	v11 =	vadd.f32 $1.000000010e-01, v8  }
0x5d: {  	s5 =	simm.s32 $0x1110;
	v27 =	vld [tilespmem:s30+$0xD0];
	v9 =	vmul.f32 $1.587301610e-03, v9;
	v1 =	vadd.f32 $0.0e+00, v1;
	v4 =	vadd.f32 $0.0e+00, v4  }
0x5e: {  	v23 =	vld [tilespmem:s5+$0xFFFFFFC0];
	v10 =	vsub.f32 v10, v14;
	v14 =	vmul.f32 $1.587301610e-03, v15;
	v8 =	vmul.f32 $1.587301610e-03, v8  }
0x5f: {  	s29 =	simm.s32 $0x1090;
	vm9 =	vle.f32 v22, $0.0e+00;
	v6 =	vsub.f32 v6, v9;
	v9 =	vsel vm15, v17, v18  }
0x60: {  	v15 =	vld [tilespmem:s29+$0xFFFFFFC0];
	v17 =	vadd.f32 $1.000000010e-01, v13;
	v11 =	vsel vm4, v11, v19;
	v19 =	vmul.f32 $-1.000000010e-01, v25  }
0x61: {  	v18 =	vld [tilespmem:s30+$0xFFFFF800];
	v1 =	vadd.f32 v10, v1;
	v10 =	vmul.f32 $1.587301610e-03, v13;
	v4 =	vadd.f32 v6, v4  }
0x62: {  	v13 =	vld [tilespmem:s30+$0xFFFFF880];
	v6 =	vsub.f32 v9, v14;
	v8 =	vsub.f32 v11, v8;
	v9 =	vmul.f32 $1.587301610e-03, v12  }
0x63: {  	v14 =	vld [tilespmem:s30+$0xFFFFF8C0];
	v63 =	vand.u32 $0x7FFFFFFF, v23;
	v23 =	vand.u32 $0x7FFFFFFF, v27;
	v11 =	vsel vm5, v17, v19  }
0x64: {  	v12 =	vld [tilespmem:s30+$0x0];
	v1 =	vadd.f32 v6, v1;
	v6 =	vsel vm6, v20, v21;
	v10 =	vsub.f32 v11, v10  }
0x65: {  	v15 =	vand.u32 $0x7FFFFFFF, v15;
	v16 =	vadd.f32 v8, v4;
	v8 =	vand.u32 $0x7FFFFFFF, v22  }
0x66: {  	v17 =	vsub.f32 v6, v9;
	v4 =	vand.u32 $0x7FFFFFFF, v18;
	vm7 =	vle.f32 v18, $0.0e+00  }
0x67: {  	v31 =	vld [tilespmem:s30+$0x50];
	v26 =	vadd.f32 $1.000000010e-01, v8;
	v19 =	vadd.f32 v10, v1;
	v9 =	vand.u32 $0x7FFFFFFF, v13  }
0x68: {  	v34 =	vld [tilespmem:s30+$0xFFFFF810];
	v10 =	vmul.f32 $-1.000000010e-01, v18;
	v21 =	vadd.f32 $1.000000010e-01, v4;
	vm11 =	vle.f32 v13, $0.0e+00  }
0x69: {  	v1 =	vld [tilespmem:s30+$0x40];
	v2 =	vadd.f32 v4, v2;
	v6 =	vand.u32 $0x7FFFFFFF, v14;
	v11 =	vand.u32 $0x7FFFFFFF, v12  }
0x6a: {  	v18 =	vld [tilespmem:s30+$0x80];
	v25 =	vmul.f32 $1.000000010e-01, v12;
	vm8 =	vge.f32 v12, $0.0e+00;
	v12 =	vmul.f32 $-1.000000010e-01, v22  }
0x6b: {  	v35 =	vld [tilespmem:s30+$0xFFFFF820];
	v30 =	vadd.f32 $1.000000010e-01, v9;
	vm13 =	vle.f32 v14, $0.0e+00;
	v16 =	vadd.f32 v17, v16  }
0x6c: {  	v27 =	vld [tilespmem:s30+$0xA0];
	v24 =	vadd.f32 $1.000000010e-01, v11;
	v21 =	vsel vm7, v21, v10;
	v2 =	vadd.f32 v8, v2  }
0x6d: {  	v20 =	vld [tilespmem:s29+$0x0];
	v12 =	vsel vm9, v26, v12;
	v61 =	vadd.f32 v16, v19;
	v16 =	vmov s25  }
0x6e: {  	v22 =	vld [tilespmem:s30+$0xC0];
	v19 =	vand.u32 $0x7FFFFFFF, v34;
	v28 =	vand.u32 $0x7FFFFFFF, v1;
	v29 =	vmul.f32 $1.000000010e-01, v1  }
0x6f: {  	v17 =	vld [tilespmem:s30+$0xFFFFF860];
	vm10 =	vge.f32 v1, $0.0e+00;
	v1 =	vmul.f32 $-1.000000010e-01, v13;
	v32 =	vand.u32 $0x7FFFFFFF, v18  }
0x70: {  	v33 =	vmul.f32 $1.000000010e-01, v18;
	vm12 =	vge.f32 v18, $0.0e+00;
	v18 =	vmul.f32 $-1.000000010e-01, v14;
	v14 =	vld [tilespmem:s30+$0xFFFFF830]  }
0x71: {  	v24 =	vsel vm8, v24, v25;
	v7 =	vadd.f32 v19, v7;
	v2 =	vadd.f32 v9, v2;
	v13 =	vld [tilespmem:s30+$0xFFFFF850]  }
0x72: {  	v26 =	vld [tilespmem:s30+$0xE0];
	v25 =	vadd.f32 $1.000000010e-01, v28;
	v30 =	vsel vm11, v30, v1;
	v1 =	vadd.f32 $1.000000010e-01, v6  }
0x73: {  	v60 =	vand.u32 $0x7FFFFFFF, v22;
	v37 =	vmul.f32 $1.000000010e-01, v22;
	vm14 =	vge.f32 v22, $0.0e+00;
	v22 =	vld [tilespmem:s30+$0xFFFFF890]  }
0x74: {  	v19 =	vld [tilespmem:s30+$0xFFFFF8A0];
	v17 =	vand.u32 $0x7FFFFFFF, v17;
	v18 =	vsel vm13, v1, v18;
	v1 =	vand.u32 $0x7FFFFFFF, v20  }
0x75: {  	v2 =	vadd.f32 v6, v2;
	v20 =	vld [tilespmem:s30+$0xFFFFF870];
	v15 =	vadd.f32 v1, v15;
	v14 =	vand.u32 $0x7FFFFFFF, v14  }
0x76: {  	v1 =	vlaneseq.u32;
	v13 =	vand.u32 $0x7FFFFFFF, v13;
	v3 =	vadd.f32 v14, v3;
	v14 =	vld [tilespmem:s30+$0xFFFFF8D0]  }
0x77: {  	vm15 =	veq.s32 v16, v1;
	v16 =	vand.u32 $0x7FFFFFFF, v35;
	v7 =	vadd.f32 v13, v7;
	v13 =	vld [tilespmem:s30+$0xFFFFF8E0]  }
0x78: {  	v36 =	vadd.f32 $1.000000010e-01, v60;
	v22 =	vand.u32 $0x7FFFFFFF, v22;
	v5 =	vadd.f32 v16, v5;
	v16 =	vld [tilespmem:s30+$0xFFFFF8B0]  }
0x79: {  	v6 =	vmul.f32 $1.587301610e-03, v6;
	v25 =	vsel vm10, v25, v29;
	v7 =	vadd.f32 v22, v7;
	v22 =	vld [tilespmem:s30+$0x20]  }
0x7a: {  	v29 =	vadd.f32 $1.000000010e-01, v32;
	v20 =	vand.u32 $0x7FFFFFFF, v20;
	v5 =	vadd.f32 v17, v5;
	v17 =	vld [tilespmem:s30+$0xFFFFF8F0]  }
0x7b: {  	v2 =	vadd.f32 v11, v2;
	v19 =	vand.u32 $0x7FFFFFFF, v19;
	v3 =	vadd.f32 v20, v3;
	v20 =	vld [tilespmem:s30+$0x10]  }
0x7c: {  	v11 =	vmul.f32 $1.587301610e-03, v11;
	v5 =	vadd.f32 v19, v5;
	v19 =	vld [tilespmem:s30+$0x30];
	v14 =	vand.u32 $0x7FFFFFFF, v14  }
0x7d: {  	v26 =	vand.u32 $0x7FFFFFFF, v26;
	v16 =	vand.u32 $0x7FFFFFFF, v16;
	v7 =	vadd.f32 v14, v7;
	v14 =	vld [tilespmem:s30+$0x70]  }
0x7e: {  	v11 =	vsub.f32 v24, v11;
	v13 =	vand.u32 $0x7FFFFFFF, v13;
	v3 =	vadd.f32 v16, v3;
	v16 =	vld [tilespmem:s30+$0x60]  }
0x7f: {  	v15 =	vadd.f32 v15, v15;
	v5 =	vadd.f32 v13, v5;
	v13 =	vld [tilespmem:s30+$0x90];
	v17 =	vand.u32 $0x7FFFFFFF, v17  }
0x80: {  	v10 =	vld [tilespmem:s5+$0x0];
	v11 =	vadd.f32 $0.0e+00, v11;
	v3 =	vadd.f32 v17, v3;
	v20 =	vand.u32 $0x7FFFFFFF, v20  }
0x81: {  	v22 =	vand.u32 $0x7FFFFFFF, v22;
	v7 =	vadd.f32 v20, v7;
	v20 =	vld [tilespmem:s30+$0xB0];
	v19 =	vand.u32 $0x7FFFFFFF, v19  }
0x82: {  	s4 =	simm.s32 $0x1190;
	v17 =	vand.u32 $0x7FFFFFFF, v31;
	v5 =	vadd.f32 v22, v5;
	v22 =	vld [tilespmem:s30+$0xF0];
	v3 =	vadd.f32 v19, v3  }
0x83: {  	v19 =	vadd.f32 v28, v2;
	v2 =	vand.u32 $0x7FFFFFFF, v14;
	v7 =	vadd.f32 v17, v7;
	v17 =	vld [tilespmem:s4+$0xFFFFFFC0]  }
0x84: {  	s2 =	simm.s32 $0xA50;
	v16 =	vand.u32 $0x7FFFFFFF, v16;
	v13 =	vand.u32 $0x7FFFFFFF, v13;
	v14 =	vadd.f32 v2, v3;
	v2 =	vld [tilespmem:s4+$0x0]  }
0x85: {  	v5 =	vadd.f32 v16, v5;
	v16 =	vand.u32 $0x7FFFFFFF, v27;
	v19 =	vadd.f32 v32, v19;
	v3 =	vld [tilespmem:s2+$0xD0]  }
0x86: {  	v7 =	vadd.f32 v13, v7;
	v13 =	vand.u32 $0x7FFFFFFF, v20;
	v20 =	vmul.f32 $1.587301610e-03, v4;
	v4 =	vld [tilespmem:s2+$0xE0]  }
0x87: {  	v24 =	vmul.f32 $1.587301610e-03, v28;
	v16 =	vadd.f32 v16, v5;
	v5 =	vadd.f32 v60, v19;
	v19 =	vld [tilespmem:s2+$0x90]  }
0x88: {  	v14 =	vadd.f32 v13, v14;
	v7 =	vadd.f32 v23, v7;
	v23 =	vmul.f32 $1.587301610e-03, v8;
	v13 =	vld [tilespmem:s2+$0xA0]  }
0x89: {  	v10 =	vand.u32 $0x7FFFFFFF, v10;
	v21 =	vsub.f32 v21, v20;
	v8 =	vadd.f32 v26, v16;
	v20 =	vld [tilespmem:s2+$0x50]  }
0x8a: {  	v22 =	vand.u32 $0x7FFFFFFF, v22;
	v16 =	vld [tilespmem:s2+$0x60];
	v12 =	vsub.f32 v12, v23;
	v23 =	vsub.f32 v25, v24  }
0x8b: {  	v27 =	vmul.f32 $1.587301610e-03, v9;
	v9 =	vadd.f32 v22, v14;
	v14 =	vmul.f32 $1.587301610e-03, v32;
	v22 =	vld [tilespmem:s2+$0x20]  }
0x8c: {  	v29 =	vsel vm12, v29, v33;
	v24 =	vld [tilespmem:s2+$0xFFFFF8E0];
	v26 =	vadd.f32 $0.0e+00, v21;
	v11 =	vadd.f32 v23, v11  }
0x8d: {  	v36 =	vsel vm14, v36, v37;
	v25 =	vld [tilespmem:s2+$0xFFFFF890];
	v28 =	vsub.f32 v29, v14;
	v29 =	vadd.f32 v15, v61  }
0x8e: {  	v62 =	vsel vm15, $0x3F800000, v0;
	v21 =	vld [tilespmem:s2+$0x10];
	v12 =	vadd.f32 v12, v26;
	v26 =	vsub.f32 v30, v27  }
0x8f: {  	v23 =	vld [tilespmem:s2+$0xFFFFF8D0];
	v30 =	vmul.f32 $1.587301610e-03, v60;
	v27 =	vsub.f32 v18, v6;
	v6 =	vimm.f32 $0.0e+00  }
0x90: {  	s31 =	simm.s32 $0x1;
	v18 =	vld [tilespmem:s2+$0xFFFFF8A0];
	v15 =	vadd.f32 v28, v11;
	v29 =	vmul.f32 v29, v62;
	v14 =	vadd.f32 v26, v12  }
0x91: {  	s3 =	simm.s32 $0x2;
	s5 =	simm.s32 $0x3;
	v11 =	vmov s31;
	v28 =	vadd.f32 v10, v63;
	v26 =	vld [tilespmem:s2+$0xFFFFF850];
	v30 =	vsub.f32 v36, v30  }
.LBB2_2:
0x92: {  	p1 =	sne.s32 s5, $0x7;
	v31 =	vld [tilespmem:s2+$0xFFFFF860];
	vm0 =	veq.s32 v11, v1;
	v27 =	vadd.f32 v27, v14;
	v6 =	vadd.f32 v29, v6  }
0x93: {  	v29 =	vld [tilespmem:s2+$0xFFFFF810];
	v11 =	vsel vm0, $0x3F800000, v0;
	v15 =	vadd.f32 v30, v15  }
0x94: {  	v10 =	vand.u32 $0x7FFFFFFF, v17;
	v12 =	vand.u32 $0x7FFFFFFF, v2;
	v14 =	vadd.f32 v28, v28;
	v30 =	vld [tilespmem:s2+$0xFFFFF820]  }
0x95: {  	v3 =	vand.u32 $0x7FFFFFFF, v3;
	v4 =	vand.u32 $0x7FFFFFFF, v4;
	v2 =	vld [tilespmem:s2+$0xFFFFF800];
	v15 =	vadd.f32 v15, v27  }
0x96: {  	v20 =	vand.u32 $0x7FFFFFFF, v20;
	v19 =	vand.u32 $0x7FFFFFFF, v19;
	v13 =	vand.u32 $0x7FFFFFFF, v13;
	v17 =	vld [tilespmem:s2+$0xFFFFF830]  }
0x97: {  	v21 =	vand.u32 $0x7FFFFFFF, v21;
	v22 =	vand.u32 $0x7FFFFFFF, v22;
	v28 =	vand.u32 $0x7FFFFFFF, v16;
	v27 =	vld [tilespmem:s2+$0xFFFFF840]  }
0x98: {  	v23 =	vand.u32 $0x7FFFFFFF, v23;
	v24 =	vand.u32 $0x7FFFFFFF, v24;
	v25 =	vand.u32 $0x7FFFFFFF, v25;
	v32 =	vld [tilespmem:s2+$0xFFFFF870]  }
0x99: {  	v33 =	vand.u32 $0x7FFFFFFF, v18;
	v26 =	vand.u32 $0x7FFFFFFF, v26;
	v31 =	vand.u32 $0x7FFFFFFF, v31;
	v16 =	vld [tilespmem:s2+$0xFFFFF880]  }
0x9a: {  	v18 =	vand.u32 $0x7FFFFFFF, v29;
	v29 =	vand.u32 $0x7FFFFFFF, v30;
	v34 =	vand.u32 $0x7FFFFFFF, v2;
	v30 =	vld [tilespmem:s2+$0xFFFFF8B0]  }
0x9b: {  	v7 =	vadd.f32 v18, v7;
	v5 =	vadd.f32 v34, v5;
	v17 =	vand.u32 $0x7FFFFFFF, v17;
	v18 =	vld [tilespmem:s2+$0xFFFFF8C0]  }
0x9c: {  	v8 =	vadd.f32 v29, v8;
	v9 =	vadd.f32 v17, v9;
	v29 =	vand.u32 $0x7FFFFFFF, v27;
	v17 =	vld [tilespmem:s2+$0xFFFFF8F0]  }
0x9d: {  	v7 =	vadd.f32 v26, v7;
	v5 =	vadd.f32 v29, v5;
	v26 =	vand.u32 $0x7FFFFFFF, v32;
	v32 =	vld [tilespmem:s2+$0x0]  }
0x9e: {  	v8 =	vadd.f32 v31, v8;
	v9 =	vadd.f32 v26, v9;
	v26 =	vand.u32 $0x7FFFFFFF, v16;
	v31 =	vld [tilespmem:s2+$0x30]  }
0x9f: {  	v7 =	vadd.f32 v25, v7;
	v5 =	vadd.f32 v26, v5;
	v25 =	vand.u32 $0x7FFFFFFF, v30;
	v30 =	vld [tilespmem:s2+$0x40]  }
0xa0: {  	v8 =	vadd.f32 v33, v8;
	v9 =	vadd.f32 v25, v9;
	v25 =	vand.u32 $0x7FFFFFFF, v18;
	v33 =	vld [tilespmem:s2+$0x70]  }
0xa1: {  	v7 =	vadd.f32 v23, v7;
	v5 =	vadd.f32 v25, v5;
	v17 =	vand.u32 $0x7FFFFFFF, v17;
	v23 =	vld [tilespmem:s2+$0x80]  }
0xa2: {  	v8 =	vadd.f32 v24, v8;
	v9 =	vadd.f32 v17, v9;
	v17 =	vand.u32 $0x7FFFFFFF, v32;
	v24 =	vld [tilespmem:s2+$0xB0]  }
0xa3: {  	v7 =	vadd.f32 v21, v7;
	v5 =	vadd.f32 v17, v5;
	v21 =	vand.u32 $0x7FFFFFFF, v31;
	v31 =	vld [tilespmem:s2+$0xC0]  }
0xa4: {  	v8 =	vadd.f32 v22, v8;
	v9 =	vadd.f32 v21, v9;
	v21 =	vand.u32 $0x7FFFFFFF, v30;
	v22 =	vld [tilespmem:s2+$0xF0]  }
0xa5: {  	v7 =	vadd.f32 v20, v7;
	v5 =	vadd.f32 v21, v5;
	v20 =	vand.u32 $0x7FFFFFFF, v33  }
0xa6: {  	v8 =	vadd.f32 v28, v8;
	v9 =	vadd.f32 v20, v9;
	v28 =	vand.u32 $0x7FFFFFFF, v23  }
0xa7: {  	v7 =	vadd.f32 v19, v7;
	v5 =	vadd.f32 v28, v5;
	v19 =	vand.u32 $0x7FFFFFFF, v24  }
0xa8: {  	v8 =	vadd.f32 v13, v8;
	v9 =	vadd.f32 v19, v9;
	v24 =	vand.u32 $0x7FFFFFFF, v31  }
0xa9: {  	v7 =	vadd.f32 v3, v7;
	v5 =	vadd.f32 v24, v5;
	v3 =	vand.u32 $0x7FFFFFFF, v22  }
0xaa: {  	v13 =	vmul.f32 $-1.000000010e-01, v2;
	v8 =	vadd.f32 v4, v8;
	v9 =	vadd.f32 v3, v9  }
0xab: {  	v4 =	vadd.f32 $1.000000010e-01, v17;
	v19 =	vmul.f32 $1.000000010e-01, v32;
	v3 =	vadd.f32 $1.000000010e-01, v34  }
0xac: {  	vm0 =	vle.f32 v2, $0.0e+00;
	v2 =	vmul.f32 $1.587301610e-03, v34;
	v20 =	vmul.f32 $1.587301610e-03, v17  }
0xad: {  	v3 =	vsel vm0, v3, v13;
	v13 =	vadd.f32 $1.000000010e-01, v29;
	vm0 =	vge.f32 v32, $0.0e+00  }
0xae: {  	s4 =	sadd.s32 $0x80, s4;
	v22 =	vmul.f32 $-1.000000010e-01, v27;
	v4 =	vsel vm0, v4, v19;
	v19 =	vadd.f32 $1.000000010e-01, v21  }
0xaf: {  	v33 =	vmul.f32 $1.000000010e-01, v30;
	v32 =	vsub.f32 v3, v2;
	v20 =	vsub.f32 v4, v20;
	v17 =	vld [tilespmem:s4+$0xFFFFFFC0]  }
0xb0: {  	s2 =	sadd.s32 $0x100, s2;
	vm0 =	vle.f32 v27, $0.0e+00;
	v27 =	vmul.f32 $1.587301610e-03, v29;
	v21 =	vmul.f32 $1.587301610e-03, v21;
	v2 =	vld [tilespmem:s4+$0x0]  }
0xb1: {  	v29 =	vadd.f32 $1.000000010e-01, v26;
	v22 =	vsel vm0, v13, v22;
	vm0 =	vge.f32 v30, $0.0e+00;
	v3 =	vld [tilespmem:s2+$0xD0]  }
0xb2: {  	v34 =	vadd.f32 $1.000000010e-01, v28;
	v30 =	vmul.f32 $-1.000000010e-01, v16;
	v33 =	vsel vm0, v19, v33;
	v4 =	vld [tilespmem:s2+$0xE0]  }
0xb3: {  	v36 =	vmul.f32 $1.000000010e-01, v23;
	v32 =	vadd.f32 $0.0e+00, v32;
	v35 =	vadd.f32 $0.0e+00, v20;
	v19 =	vld [tilespmem:s2+$0x90]  }
0xb4: {  	v26 =	vmul.f32 $1.587301610e-03, v26;
	v27 =	vsub.f32 v22, v27;
	v33 =	vsub.f32 v33, v21;
	v13 =	vld [tilespmem:s2+$0xA0]  }
0xb5: {  	vm1 =	vge.f32 v23, $0.0e+00;
	v28 =	vmul.f32 $1.587301610e-03, v28;
	vm0 =	vle.f32 v16, $0.0e+00;
	v20 =	vld [tilespmem:s2+$0x50]  }
0xb6: {  	v34 =	vsel vm1, v34, v36;
	v29 =	vsel vm0, v29, v30;
	v30 =	vadd.f32 $1.000000010e-01, v25;
	v16 =	vld [tilespmem:s2+$0x60]  }
0xb7: {  	v38 =	vmul.f32 $1.000000010e-01, v31;
	v37 =	vadd.f32 $1.000000010e-01, v24;
	v36 =	vmul.f32 $-1.000000010e-01, v18;
	v21 =	vld [tilespmem:s2+$0x10]  }
0xb8: {  	v27 =	vadd.f32 v27, v32;
	v32 =	vmul.f32 $1.587301610e-03, v25;
	v33 =	vadd.f32 v33, v35;
	v22 =	vld [tilespmem:s2+$0x20]  }
.Ltmp1:
0xb9: {  	v28 =	vsub.f32 v34, v28;
	v34 =	vmul.f32 $1.587301610e-03, v24;
	v26 =	vsub.f32 v29, v26;
	v23 =	vld [tilespmem:s2+$0xFFFFF8D0];
	(pc) =	sbr.rel @p1 .LBB2_2-.Ltmp1, $4  }
0xba: {  	vm1 =	vge.f32 v31, $0.0e+00;
	vm0 =	vle.f32 v18, $0.0e+00;
	v29 =	vadd.f32 v14, v15;
	v24 =	vld [tilespmem:s2+$0xFFFFF8E0]  }
0xbb: {  	v15 =	vsel vm0, v30, v36;
	v30 =	vsel vm1, v37, v38;
	v14 =	vadd.f32 v26, v27;
	v25 =	vld [tilespmem:s2+$0xFFFFF890]  }
0xbc: {  	v27 =	vsub.f32 v15, v32;
	v29 =	vmul.f32 v29, v11;
	v15 =	vadd.f32 v28, v33;
	v18 =	vld [tilespmem:s2+$0xFFFFF8A0]  }
0xbd: {  	v11 =	vmov s3;
	v30 =	vsub.f32 v30, v34;
	s3 =	smov.u32 s5;
	s5 =	sadd.s32 $0x1, s5;
	v28 =	vadd.f32 v12, v10;
	v26 =	vld [tilespmem:s2+$0xFFFFF850]  }
0xbe: {  	v31 =	vld [tilespmem:s2+$0xFFFFF860]  }
0xbf: {  	v32 =	vld [tilespmem:s2+$0xFFFFF810]  }
0xc0: {  	v59 =	vld [tilespmem:s2+$0xFFFFF820]  }
0xc1: {  	v60 =	vld [tilespmem:s2+$0xFFFFF800]  }
0xc2: {  	v61 =	vld [tilespmem:s2+$0xFFFFF830]  }
0xc3: {  	v62 =	vld [tilespmem:s2+$0xFFFFF870]  }
0xc4: {  	v34 =	vld [tilespmem:s2+$0xFFFFF8B0]  }
0xc5: {  	v36 =	vld [tilespmem:s2+$0xFFFFF8F0]  }
0xc6: {  	v12 =	vadd.f32 v27, v14;
	v6 =	vadd.f32 v29, v6;
	v38 =	vld [tilespmem:s2+$0x0]  }
0xc7: {  	v14 =	vand.u32 $0x7FFFFFFF, v17;
	v20 =	vand.u32 $0x7FFFFFFF, v20;
	v19 =	vand.u32 $0x7FFFFFFF, v19;
	v40 =	vld [tilespmem:s2+$0x30]  }
0xc8: {  	v21 =	vand.u32 $0x7FFFFFFF, v21;
	v22 =	vand.u32 $0x7FFFFFFF, v22;
	v23 =	vand.u32 $0x7FFFFFFF, v23;
	v42 =	vld [tilespmem:s2+$0x40]  }
0xc9: {  	v43 =	vld [tilespmem:s2+$0x70];
	v16 =	vand.u32 $0x7FFFFFFF, v16;
	v2 =	vand.u32 $0x7FFFFFFF, v2;
	v15 =	vadd.f32 v30, v15  }
0xca: {  	v45 =	vld [tilespmem:s2+$0x80];
	v13 =	vand.u32 $0x7FFFFFFF, v13;
	v10 =	vadd.f32 v28, v28;
	v2 =	vadd.f32 v2, v14  }
0xcb: {  	v47 =	vld [tilespmem:s2+$0xB0];
	v24 =	vand.u32 $0x7FFFFFFF, v24;
	v25 =	vand.u32 $0x7FFFFFFF, v25;
	v12 =	vadd.f32 v15, v12  }
0xcc: {  	v49 =	vld [tilespmem:s2+$0xC0];
	v18 =	vand.u32 $0x7FFFFFFF, v18;
	v2 =	vadd.f32 v2, v2;
	v26 =	vand.u32 $0x7FFFFFFF, v26  }
0xcd: {  	v63 =	vand.u32 $0x7FFFFFFF, v31;
	v33 =	vand.u32 $0x7FFFFFFF, v60;
	v32 =	vand.u32 $0x7FFFFFFF, v32  }
0xce: {  	v27 =	vand.u32 $0x7FFFFFFF, v59;
	v15 =	vand.u32 $0x7FFFFFFF, v61;
	v37 =	vand.u32 $0x7FFFFFFF, v62  }
0xcf: {  	v41 =	vand.u32 $0x7FFFFFFF, v34;
	v44 =	vand.u32 $0x7FFFFFFF, v36;
	v46 =	vand.u32 $0x7FFFFFFF, v38  }
0xd0: {  	v48 =	vand.u32 $0x7FFFFFFF, v40;
	v50 =	vand.u32 $0x7FFFFFFF, v42;
	v51 =	vand.u32 $0x7FFFFFFF, v43  }
0xd1: {  	v28 =	vld [tilespmem:s2+$0xFFFFF840];
	v52 =	vand.u32 $0x7FFFFFFF, v45;
	v53 =	vand.u32 $0x7FFFFFFF, v47;
	v54 =	vand.u32 $0x7FFFFFFF, v49  }
0xd2: {  	v55 =	vmul.f32 $-1.000000010e-01, v60;
	v58 =	vmul.f32 $1.000000010e-01, v38;
	vm0 =	vle.f32 v60, $0.0e+00  }
0xd3: {  	vm8 =	vge.f32 v38, $0.0e+00;
	v29 =	vmul.f32 $1.000000010e-01, v42;
	vm10 =	vge.f32 v42, $0.0e+00  }
0xd4: {  	vm1 =	vge.f32 v45, $0.0e+00;
	v43 =	vmul.f32 $1.000000010e-01, v49;
	v5 =	vadd.f32 v33, v5  }
0xd5: {  	vm13 =	vge.f32 v49, $0.0e+00;
	v7 =	vadd.f32 v32, v7;
	v8 =	vadd.f32 v27, v8  }
0xd6: {  	v9 =	vadd.f32 v15, v9;
	v15 =	vand.u32 $0x7FFFFFFF, v28;
	v56 =	vadd.f32 $1.000000010e-01, v33  }
0xd7: {  	v31 =	vld [tilespmem:s2+$0xFFFFF880];
	v57 =	vadd.f32 $1.000000010e-01, v46;
	v59 =	vmul.f32 $1.587301610e-03, v33;
	v62 =	vadd.f32 $1.000000010e-01, v50  }
0xd8: {  	v61 =	vmul.f32 $-1.000000010e-01, v28;
	v36 =	vadd.f32 $1.000000010e-01, v52;
	v42 =	vadd.f32 $1.000000010e-01, v54  }
0xd9: {  	v32 =	vld [tilespmem:s2+$0xFFFFF8C0];
	vm9 =	vle.f32 v28, $0.0e+00;
	v60 =	vadd.f32 $1.000000010e-01, v15;
	v5 =	vadd.f32 v15, v5  }
0xda: {  	v47 =	vmul.f32 $1.587301610e-03, v54;
	v7 =	vadd.f32 v26, v7;
	v8 =	vadd.f32 v63, v8  }
0xdb: {  	v9 =	vadd.f32 v37, v9;
	v15 =	vmul.f32 $1.587301610e-03, v15;
	v37 =	vmul.f32 $1.000000010e-01, v45  }
0xdc: {  	v39 =	vand.u32 $0x7FFFFFFF, v31;
	v7 =	vadd.f32 v25, v7;
	v8 =	vadd.f32 v18, v8  }
0xdd: {  	v9 =	vadd.f32 v41, v9;
	v35 =	vmul.f32 $-1.000000010e-01, v31;
	vm11 =	vle.f32 v31, $0.0e+00  }
0xde: {  	v5 =	vadd.f32 v39, v5;
	v18 =	vand.u32 $0x7FFFFFFF, v32;
	v33 =	vadd.f32 $1.000000010e-01, v39  }
0xdf: {  	v38 =	vmul.f32 $1.587301610e-03, v39;
	v41 =	vmul.f32 $-1.000000010e-01, v32;
	v7 =	vadd.f32 v23, v7  }
0xe0: {  	vm12 =	vle.f32 v32, $0.0e+00;
	v8 =	vadd.f32 v24, v8;
	v9 =	vadd.f32 v44, v9  }
0xe1: {  	v23 =	vmul.f32 $1.587301610e-03, v46;
	v40 =	vadd.f32 $1.000000010e-01, v18;
	v5 =	vadd.f32 v18, v5  }
0xe2: {  	v39 =	vsel vm11, v33, v35;
	v7 =	vadd.f32 v21, v7;
	v8 =	vadd.f32 v22, v8  }
0xe3: {  	v9 =	vadd.f32 v48, v9;
	v22 =	vsel vm8, v57, v58;
	v5 =	vadd.f32 v46, v5  }
0xe4: {  	v21 =	vmul.f32 $1.587301610e-03, v50;
	v63 =	vsub.f32 v22, v23;
	v46 =	vsub.f32 v39, v38  }
0xe5: {  	v22 =	vsel vm10, v62, v29;
	v7 =	vadd.f32 v20, v7;
	v8 =	vadd.f32 v16, v8  }
0xe6: {  	v9 =	vadd.f32 v51, v9;
	v20 =	vsel vm9, v60, v61;
	v21 =	vsub.f32 v22, v21  }
0xe7: {  	v5 =	vadd.f32 v50, v5;
	v7 =	vadd.f32 v19, v7;
	v19 =	vsel vm0, v56, v55  }
0xe8: {  	v24 =	vsel vm1, v36, v37;
	v15 =	vsub.f32 v20, v15;
	v17 =	vsub.f32 v19, v59  }
0xe9: {  	v16 =	vmul.f32 $1.587301610e-03, v52;
	v8 =	vadd.f32 v13, v8;
	v9 =	vadd.f32 v53, v9  }
0xea: {  	v50 =	vsel vm13, v42, v43;
	v19 =	vadd.f32 $0.0e+00, v63;
	v17 =	vadd.f32 $0.0e+00, v17  }
0xeb: {  	v49 =	vld [tilespmem:s2+$0xF0];
	v44 =	vmul.f32 $1.587301610e-03, v18;
	v16 =	vsub.f32 v24, v16;
	v51 =	vsub.f32 v50, v47  }
0xec: {  	v48 =	vsel vm12, v40, v41;
	v45 =	vadd.f32 v21, v19;
	v15 =	vadd.f32 v15, v17  }
0xed: {  	v3 =	vand.u32 $0x7FFFFFFF, v3;
	v5 =	vadd.f32 v52, v5;
	v17 =	vsub.f32 v48, v44  }
0xee: {  	v4 =	vand.u32 $0x7FFFFFFF, v4;
	v16 =	vadd.f32 v16, v45;
	v15 =	vadd.f32 v46, v15  }
0xef: {  	v3 =	vadd.f32 v3, v7;
	v4 =	vadd.f32 v4, v8  }
0xf0: {  	v55 =	vand.u32 $0x7FFFFFFF, v49;
	v53 =	vadd.f32 v51, v16;
	v52 =	vadd.f32 v17, v15  }
0xf1: {  	vm14 =	veq.s32 v11, v1;
	v57 =	vadd.f32 v55, v9;
	v5 =	vadd.f32 v54, v5  }
0xf2: {  	v58 =	vmov s3;
	v54 =	vadd.f32 v10, v12;
	v11 =	vadd.f32 v53, v52  }
0xf3: {  	vm15 =	veq.s32 v58, v1;
	v56 =	vsel vm14, $0x3F800000, v0;
	v60 =	vadd.f32 v57, v4  }
0xf4: {  	v7 =	vmul.f32 v54, v56;
	v59 =	vadd.f32 v3, v5;
	v2 =	vadd.f32 v2, v11  }
0xf5: {  	v61 =	vsel vm15, $0x3F800000, v0  }
0xf6: {  	v62 =	vadd.f32 v7, v6;
	v1 =	vadd.f32 v60, v59;
	v0 =	vmul.f32 v2, v61;
	_ =	sdelay $0x1  }
0xf7: {  	v1 =	vmul.f32 $1.587301610e-03, v1;
	v0 =	vadd.f32 v0, v62;
	_ =	sdelay $0x1  }
0xf8: {  	v0 =	vadd.f32 v1, v0;
	_ =	sdelay $0x1  }
0xf9: {  	(v2sf) =	vpush v0, $0x0;
	_ =	sdelay $0x1  }
0xfa: {  	(v2sf) =	vpush v0, $0x1;
	_ =	sdelay $0x1  }
0xfb: {  	(v2sf) =	vpush v0, $0x2;
	_ =	sdelay $0x1  }
0xfc: {  	(v2sf) =	vpush v0, $0x3;
	_ =	sdelay $0x1  }
0xfd: {  	(v2sf) =	vpush v0, $0x4;
	_ =	sdelay $0x1  }
0xfe: {  	(v2sf) =	vpush v0, $0x5;
	_ =	sdelay $0x1  }
0xff: {  	(v2sf) =	vpush v0, $0x6;
	_ =	sdelay $0x1  }
0x100: {  	(v2sf) =	vpush v0, $0x7  }
0x101: {  	s12 =	spop (v2sf)  }
0x102: {  	(v2sf) =	vpush v0, $0x8;
	s2 =	sadd.f32 $0.0e+00, s12  }
0x103: {  	s13 =	spop (v2sf)  }
0x104: {  	(v2sf) =	vpush v0, $0x9;
	s2 =	sadd.f32 s2, s13  }
0x105: {  	s14 =	spop (v2sf)  }
0x106: {  	(v2sf) =	vpush v0, $0xA;
	s2 =	sadd.f32 s2, s14  }
0x107: {  	s15 =	spop (v2sf)  }
0x108: {  	(v2sf) =	vpush v0, $0xB;
	s2 =	sadd.f32 s2, s15  }
0x109: {  	s16 =	spop (v2sf)  }
0x10a: {  	(v2sf) =	vpush v0, $0xC;
	s2 =	sadd.f32 s2, s16  }
0x10b: {  	s17 =	spop (v2sf)  }
0x10c: {  	(v2sf) =	vpush v0, $0xD;
	s2 =	sadd.f32 s2, s17  }
0x10d: {  	s18 =	spop (v2sf)  }
0x10e: {  	(v2sf) =	vpush v0, $0xE;
	s2 =	sadd.f32 s2, s18  }
0x10f: {  	s19 =	spop (v2sf)  }
0x110: {  	(v2sf) =	vpush v0, $0xF;
	s2 =	sadd.f32 s2, s19  }
0x111: {  	s20 =	spop (v2sf)  }
0x112: {  	s2 =	sadd.f32 s2, s20  }
0x113: {  	s21 =	spop (v2sf)  }
0x114: {  	s2 =	sadd.f32 s2, s21  }
0x115: {  	s22 =	spop (v2sf)  }
0x116: {  	s2 =	sadd.f32 s2, s22  }
0x117: {  	s23 =	spop (v2sf)  }
0x118: {  	s2 =	sadd.f32 s2, s23  }
0x119: {  	s24 =	spop (v2sf)  }
0x11a: {  	s2 =	sadd.f32 s2, s24  }
0x11b: {  	s25 =	spop (v2sf)  }
0x11c: {  	s2 =	sadd.f32 s2, s25  }
0x11d: {  	s26 =	spop (v2sf)  }
0x11e: {  	s2 =	sadd.f32 s2, s26  }
0x11f: {  	s28 =	spop (v2sf)  }
0x120: {  	s2 =	sadd.f32 s2, s28;
	_ =	sdelay $0x1  }
0x121: {  	s2 =	smul.f32 $6.250000090e-03, s2;
	_ =	sdelay $0x1  }
0x122: {  	v63 =	vmov s2  }
0x123: {  	s29 =	simm.s32 $0x0;
	s30 =	simm.s32 $0x1450;
	s31 =	simm.s32 $0x2;
	[tilespmem:$0x1450] =	vst v63  }
0x124: {  	[hbm4b:s1+s29] =	stream.linear.scatter [tilespmem:s30], [sflag:$0x2], $0x1, $0x38;
	[tilespmem:$0x1460] =	vst v63  }
0x125: {  	_ =	swait.ge [sflag:s31], $0x1  }
0x126: {  	[sflag:s31] =	ssyncset.done $0x0  }
0x127: {  	[sflag:s31] =	ssyncadd.s32 $0xFFFFFFFF  }
.LBB2_4:
0x128: {  	_ =	sfence.sel $0x180000  }
0x129: {  	[bflag:$0x0] =	sbarrier.arrive $0xFFFF  }
0x12a: {  	_ =	strace $0x90000047  }
0x12b: {  	s0 =	sadd.s32 @!p0 $0x100000, s0;
	[bflag:$0x2] =	sbarrier.arrive $0xFFFF  }
0x12c: {  	[sflag:s0] =	ssyncadd.tile.s32 @!p0 $0x1;
	_ =	shalt  }
.Lfunc_end2:
_tile_overlayer_lowered:
.L_overlay_start_2:
0x12d: {  	(tag) =	ssettag $0x2  }
0x12e: {  	s0 =	rddreg [dreg:$0x0];
	s2 =	stileid.u32  }
0x12f: {  	s1 =	rddreg [dreg:$0x1];
	p0 =	sne.s32 s2, $0x0  }
0x130: {  	s3 =	rddreg [dreg:$0x2];
	[bflag:$0x3] =	sbarrier.arrive $0xFFFF;
	s2 =	simm.s32 @!p0 $0x1C02  }
0x131: {  	[timem:s3], [sflag:s2] =	dma.local @!p0 [hbm:s0], s1  }
0x132: {  	s0 =	simm.s32 @!p0 $0x2  }
0x133: {  	_ =	swait.ge @!p0 [sflag:s0], s1  }
0x134: {  	s1 =	ssub.s32 @!p0 $0x0, s1;
	[sflag:s0] =	ssyncset.done @!p0 $0x0  }
0x135: {  	[sflag:s0] =	ssyncadd.s32 @!p0 s1  }
0x136: {  	[bflag:$0x3] =	sbarrier.arrive $0xFFFF  }
0x137: {  	_ =	shalt  }

</sc_bundles>
